<compile_context>
chip_gen: v7x
topology: tpu7x:2x2x1
jax: 0.10.2.dev20260603
libtpu: 0.0.44.dev20260713+nightly
codegen_flags: <defaults>
</compile_context>

<pallas_src>
import functools

import jax
import jax.numpy as jnp
from jax import lax
from jax.experimental import pallas as pl
from jax.experimental.pallas import tpu as pltpu
from jax.experimental.pallas import tpu_sc as plsc

_VOCAB = 1000
_VOCAB_PAD = 1024
_MIN_OCC = 2
_NC = 2
_NS = 16
_NW = _NC * _NS
_L = 16
_GRP = 128
_W = 128
_HR = 16


def _sc_segment_stats(x, t):
    n, d = x.shape
    nthi, nb, _ = t.shape
    chunk = n // _NW
    ngrp = chunk // _GRP
    tq_per_b = nthi // ngrp
    rows_w = _VOCAB_PAD // _NS

    mesh = plsc.VectorSubcoreMesh(core_axis_name="c", subcore_axis_name="s")

    @functools.partial(
        pl.kernel,
        out_type=(
            jax.ShapeDtypeStruct((_NC * _VOCAB_PAD, _W), jnp.float32),
            jax.ShapeDtypeStruct((_NC * _HR, _W), jnp.float32),
        ),
        mesh=mesh,
        compiler_params=pltpu.CompilerParams(
            use_tc_tiling_on_sc=False, needs_layout_passes=False),
        scratch_types=(
            pltpu.VMEM((ngrp, _GRP), jnp.int32),
            pltpu.VMEM((chunk, _W), jnp.float32),
            pltpu.VMEM((rows_w, _W), jnp.float32),
            pltpu.VMEM((_HR, _W), jnp.float32),
            pltpu.VMEM((_L,), jnp.int32),
            pltpu.VMEM_SHARED((_VOCAB_PAD, _W), jnp.float32),
            pltpu.VMEM_SHARED((_HR, _W), jnp.float32),
            pltpu.SemaphoreType.DMA,
            pltpu.SemaphoreType.DMA,
        ),
    )
    def k(x_hbm, t_hbm, acc_hbm, cnt_hbm,
          idx_v, comb, z_v, hist, iota_v, acc, acc_c, in_sem, add_sem):
        cid = lax.axis_index("c")
        sid = lax.axis_index("s")
        wid = cid * _NS + sid

        b = wid // tq_per_b
        tq = wid % tq_per_b

        in_t = [pltpu.async_copy(t_hbm.at[tq * ngrp + g, b, :],
                                 idx_v.at[g], add_sem)
                for g in range(ngrp)]
        in_x = pltpu.async_copy(x_hbm.at[pl.ds(wid * chunk, chunk), :],
                                comb.at[:, pl.ds(0, d)], in_sem)

        zero = jnp.zeros((_L,), jnp.float32)
        one = jnp.ones((_L,), jnp.float32)
        iota_v[...] = lax.iota(jnp.int32, _L)

        @pl.loop(0, rows_w)
        def _(r):
            @pl.loop(0, _W, step=_L)
            def _(c0):
                z_v[r, pl.ds(c0, _L)] = zero

        @pl.loop(0, _HR)
        def _(r):
            @pl.loop(0, _W, step=_L)
            def _(c0):
                hist[r, pl.ds(c0, _L)] = zero

        vbase = sid * rows_w
        z0 = pltpu.async_copy(z_v, acc.at[pl.ds(vbase, rows_w), :], add_sem)

        @pl.when(sid == 0)
        def _():
            pltpu.async_copy(z_v.at[pl.ds(0, _HR), :], acc_c, add_sem).wait()

        for cpy in in_t:
            cpy.wait()
        z0.wait()

        @pl.loop(0, ngrp)
        def _(g):
            @pl.loop(0, _GRP, step=_L)
            def _(j):
                ids = idx_v[g, pl.ds(j, _L)]
                r = lax.shift_right_logical(ids, 7)
                c = lax.bitwise_and(ids, 127)
                plsc.addupdate_scatter(hist, [r, c], one)

        in_x.wait()

        @pl.loop(0, chunk)
        def _(r):
            @pl.loop(0, d, step=_L)
            def _(c0):
                v = comb[r, pl.ds(c0, _L)]
                comb[r, pl.ds(d + c0, _L)] = v * v

        plsc.subcore_barrier()

        adds = []
        for g in range(ngrp):
            adds.append(pltpu.async_copy(comb.at[pl.ds(g * _GRP, _GRP), :],
                                         acc.at[idx_v.at[g]], add_sem,
                                         add=True))
        adds.append(pltpu.async_copy(hist, acc_c.at[iota_v], add_sem,
                                     add=True))
        for a in adds:
            a.wait()

        plsc.subcore_barrier()

        obase = cid * _VOCAB_PAD + vbase
        w0 = pltpu.async_copy(acc.at[pl.ds(vbase, rows_w), :],
                              acc_hbm.at[pl.ds(obase, rows_w), :], add_sem)

        @pl.when(sid == 0)
        def _():
            pltpu.async_copy(acc_c,
                             cnt_hbm.at[pl.ds(cid * _HR, _HR), :],
                             add_sem).wait()

        w0.wait()

    return k(x, t)


def _finalize_tc(acc, counts):
    vp = _VOCAB_PAD

    def body(a_ref, c_ref, loss_ref, nrep_ref):
        s = a_ref[:vp, 0:64] + a_ref[vp:, 0:64]
        q = a_ref[:vp, 64:128] + a_ref[vp:, 64:128]
        c8 = c_ref[0:8, :] + c_ref[_HR:_HR + 8, :]
        i_row = lax.broadcasted_iota(jnp.int32, (vp, 1), 0)
        hi = lax.shift_right_logical(i_row, 7)
        lo = lax.bitwise_and(i_row, 127)
        lane = lax.broadcasted_iota(jnp.int32, (vp, _W), 1)
        sel = jnp.zeros((vp, _W), jnp.float32)
        for r in range(8):
            sel = jnp.where(hi == r, c8[r:r + 1, :], sel)
        c = jnp.sum(jnp.where(lane == lo, sel, 0.0), axis=1, keepdims=True)
        mean = s / jnp.maximum(c, 1.0)
        ss = q - c * mean * mean
        var = ss / jnp.maximum(c - 1.0, 1.0)
        var_mean = jnp.sum(var, axis=1, keepdims=True) / var.shape[1]
        repeated = c >= float(_MIN_OCC)
        nrep = jnp.sum(repeated.astype(jnp.int32))
        total = jnp.sum(jnp.where(repeated, var_mean, 0.0))
        avg = total / jnp.maximum(nrep.astype(jnp.float32), 1.0)
        loss = jnp.clip(1.0 - avg, 0.0, None)
        loss_ref[0, 0] = jnp.where(nrep > 0, loss, jnp.float32(0.0))
        nrep_ref[0, 0] = nrep

    return pl.pallas_call(
        body,
        out_shape=(
            jax.ShapeDtypeStruct((1, 1), jnp.float32),
            jax.ShapeDtypeStruct((1, 1), jnp.int32),
        ),
        out_specs=(
            pl.BlockSpec(memory_space=pltpu.SMEM),
            pl.BlockSpec(memory_space=pltpu.SMEM),
        ),
    )(acc, counts)


@jax.jit
def kernel(semantic_state, token_ids):
    b, t_len, d = semantic_state.shape
    n = b * t_len
    x = semantic_state.reshape(n, d)
    nthi = t_len // _GRP
    t = token_ids.astype(jnp.int32).reshape(b, nthi, _GRP).transpose(1, 0, 2)
    acc, counts = _sc_segment_stats(x, t)
    loss, nrep = _finalize_tc(acc, counts)
    return loss[0, 0], nrep[0, 0]

# --- scband reference (transcript-rebuilt; emitter-appended) ---
"""Pipeline reference for scband-context-contrastive-loss-21835613733420 (READ-ONLY COPY).

The authoritative reference and input builder live on the scoring server;
editing this copy changes nothing except your own understanding.
"""

import jax, jax.numpy as jnp
import numpy as np

VOCAB = 1000
MIN_OCC = 2


def setup_inputs(seed: int = 0) -> dict:
    key = jax.random.key(seed)
    k1, k2 = jax.random.split(key)
    semantic_state = jax.random.normal(k1, (4, 4096, 64), dtype=jnp.float32)
    token_ids = jax.random.randint(k2, (4, 4096), 0, VOCAB, dtype=jnp.int64) if jax.config.jax_enable_x64 else jax.random.randint(k2, (4, 4096), 0, VOCAB, dtype=jnp.int32)
    return {"semantic_state": semantic_state, "token_ids": token_ids}


def _compute_loss(semantic_state, token_ids):
    B, T, D = semantic_state.shape
    x = semantic_state.reshape(B * T, D)
    t = token_ids.reshape(B * T)
    # per-unique-token statistics via segment reductions (equivalent to
    # torch.unique + per-group variance loop, vectorized)
    ones = jnp.ones((B * T,), dtype=jnp.float32)
    counts = jax.ops.segment_sum(ones, t, num_segments=VOCAB)
    sums = jax.ops.segment_sum(x, t, num_segments=VOCAB)
    sumsq = jax.ops.segment_sum(x * x, t, num_segments=VOCAB)
    c = counts[:, None]
    mean = sums / jnp.maximum(c, 1.0)
    ss = sumsq - c * mean * mean
    denom = jnp.maximum(c - 1.0, 1.0)  # unbiased variance (torch .var default ddof=1)
    var = ss / denom
    var_mean = var.mean(axis=1)  # token_reps.var(dim=0).mean()
    repeated = counts >= MIN_OCC
    num_repeated = jnp.sum(repeated.astype(jnp.int32))
    total_variance = jnp.sum(jnp.where(repeated, var_mean, 0.0))
    avg_variance = total_variance / jnp.maximum(num_repeated.astype(jnp.float32), 1.0)
    target_variance = 1.0
    loss = jnp.clip(target_variance - avg_variance, 0.0, None)
    loss = jnp.where(num_repeated > 0, loss, jnp.float32(0.0))
    return loss, num_repeated


def reference(semantic_state, token_ids):
    loss, num_repeated = _compute_loss(semantic_state, token_ids)
    return (loss, num_repeated)

if __name__ == "__main__":
    import jax
    _d = setup_inputs()
    print(jax.jit(kernel)(*tuple(_d.values())))

</pallas_src>

<mosaic_0001>
#map = affine_map<(d0, d1) -> (0, 0)>
#map1 = affine_map<(d0, d1) -> (0, 0, 0)>
module attributes {stable_mosaic.version = 14 : i64} {
  func.func @k(%arg0: i32, %arg1: i32, %arg2: memref<16384x64xf32, #tpu.memory_space<hbm>>, %arg3: memref<32x4x128xi32, #tpu.memory_space<hbm>>, %arg4: memref<2048x128xf32, #tpu.memory_space<hbm>>, %arg5: memref<32x128xf32, #tpu.memory_space<hbm>>, %arg6: memref<4x128xi32, #tpu.memory_space<vmem>>, %arg7: memref<512x128xf32, #tpu.memory_space<vmem>>, %arg8: memref<64x128xf32, #tpu.memory_space<vmem>>, %arg9: memref<16x128xf32, #tpu.memory_space<vmem>>, %arg10: memref<16xi32, #tpu.memory_space<vmem>>, %arg11: memref<1024x128xf32, #tpu.memory_space<vmem_shared>>, %arg12: memref<16x128xf32, #tpu.memory_space<vmem_shared>>, %arg13: memref<!tpu.dma_semaphore, #tpu.memory_space<semaphore_mem>>, %arg14: memref<!tpu.dma_semaphore, #tpu.memory_space<semaphore_mem>>) attributes {dimension_semantics = [#tpu.dimension_semantics<core_parallel>, #tpu.dimension_semantics<subcore_parallel>], iteration_bounds = array<i64: 2, 16>, scalar_prefetch = 0 : i64, scratch_operands = 9 : i64, tpu.core_type = #tpu.core_type<sc_vector_subcore>, window_params = [{transform_indices = #map}, {transform_indices = #map1}, {transform_indices = #map}, {transform_indices = #map}]} {
    %mul3A = arith.constant 16 : i32
    %mul3A_0 = arith.muli %arg0, %mul3A : i32
    %add3A = arith.addi %mul3A_0, %arg1 : i32
    %jit3A = arith.constant 8 : i32
    %div3A = arith.divsi %add3A, %jit3A : i32
    %sign3A = arith.constant 0 : i32
    %sign3A_1 = arith.cmpi sgt, %add3A, %sign3A : i32
    %sign3A_2 = arith.extui %sign3A_1 : i1 to i32
    %sign3A_3 = arith.constant 0 : i32
    %sign3A_4 = arith.cmpi slt, %add3A, %sign3A_3 : i32
    %sign3A_5 = arith.extui %sign3A_4 : i1 to i32
    %sign3A_6 = arith.subi %sign3A_2, %sign3A_5 : i32
    %sign3A_7 = arith.constant 0 : i32
    %sign3A_8 = arith.cmpi sgt, %jit3A, %sign3A_7 : i32
    %sign3A_9 = arith.extui %sign3A_8 : i1 to i32
    %sign3A_10 = arith.constant 0 : i32
    %sign3A_11 = arith.cmpi slt, %jit3A, %sign3A_10 : i32
    %sign3A_12 = arith.extui %sign3A_11 : i1 to i32
    %sign3A_13 = arith.subi %sign3A_9, %sign3A_12 : i32
    %ne3A = arith.cmpi ne, %sign3A_6, %sign3A_13 : i32
    %rem3A = arith.remsi %add3A, %jit3A : i32
    %ne3A_14 = arith.constant 0 : i32
    %ne3A_15 = arith.cmpi ne, %rem3A, %ne3A_14 : i32
    %and3A = arith.andi %ne3A, %ne3A_15 : i1
    %sub3A = arith.constant 1 : i32
    %sub3A_16 = arith.subi %div3A, %sub3A : i32
    %select_n3A = arith.select %and3A, %sub3A_16, %div3A : i32
    %jit3A_17 = arith.constant 8 : i32
    %eq3A = arith.constant 0 : i32
    %eq3A_18 = arith.cmpi eq, %jit3A_17, %eq3A : i32
    %jit3A_19 = arith.constant 1 : i32
    %select_n3A_20 = arith.select %eq3A_18, %jit3A_19, %jit3A_17 : i32
    %rem3A_21 = arith.remsi %add3A, %select_n3A_20 : i32
    %ne3A_22 = arith.constant 0 : i32
    %ne3A_23 = arith.cmpi ne, %rem3A_21, %ne3A_22 : i32
    %lt3A = arith.constant 0 : i32
    %lt3A_24 = arith.cmpi slt, %rem3A_21, %lt3A : i32
    %lt3A_25 = arith.constant 0 : i32
    %lt3A_26 = arith.cmpi slt, %select_n3A_20, %lt3A_25 : i32
    %ne3A_27 = arith.xori %lt3A_24, %lt3A_26 : i1
    %and3A_28 = arith.andi %ne3A_27, %ne3A_23 : i1
    %add3A_29 = arith.addi %rem3A_21, %select_n3A_20 : i32
    %select_n3A_30 = arith.select %and3A_28, %add3A_29, %rem3A_21 : i32
    %mul3A_31 = arith.constant 4 : i32
    %mul3A_32 = arith.muli %select_n3A_30, %mul3A_31 : i32
    %add3A_33 = arith.constant 0 : i32
    %add3A_34 = arith.addi %mul3A_32, %add3A_33 : i32
    %dma_start3A = arith.constant 0 : i32
    %dma_start3A_35 = arith.constant 0 : i32
    %dma_start3A_36 = tpu.memref_slice %arg6[%dma_start3A, %dma_start3A_35] : memref<4x128xi32, #tpu.memory_space<vmem>> -> memref<1x128xi32, #tpu.memory_space<vmem>>
    %dma_start3A_37 = tpu.memref_squeeze %dma_start3A_36 : memref<1x128xi32, #tpu.memory_space<vmem>> -> memref<128xi32, #tpu.memory_space<vmem>>
    %dma_start3A_38 = arith.constant 0 : i32
    %dma_start3A_39 = tpu.memref_slice %arg3[%add3A_34, %select_n3A, %dma_start3A_38] : memref<32x4x128xi32, #tpu.memory_space<hbm>> -> memref<1x1x128xi32, #tpu.memory_space<hbm>>
    %dma_start3A_40 = tpu.memref_squeeze %dma_start3A_39 : memref<1x1x128xi32, #tpu.memory_space<hbm>> -> memref<128xi32, #tpu.memory_space<hbm>>
    %dma_start3A_41 = arith.constant 0 : i32
    %dma_start3A_42 = tpu.memref_slice %arg6[%dma_start3A, %dma_start3A_41] : memref<4x128xi32, #tpu.memory_space<vmem>> -> memref<1x128xi32, #tpu.memory_space<vmem>>
    %dma_start3A_43 = tpu.memref_squeeze %dma_start3A_42 : memref<1x128xi32, #tpu.memory_space<vmem>> -> memref<128xi32, #tpu.memory_space<vmem>>
    %dma_start3A_44 = arith.constant 0 : i32
    %dma_start3A_45 = tpu.memref_slice %arg3[%add3A_34, %select_n3A, %dma_start3A_44] : memref<32x4x128xi32, #tpu.memory_space<hbm>> -> memref<1x1x128xi32, #tpu.memory_space<hbm>>
    %dma_start3A_46 = tpu.memref_squeeze %dma_start3A_45 : memref<1x1x128xi32, #tpu.memory_space<hbm>> -> memref<128xi32, #tpu.memory_space<hbm>>
    tpu.enqueue_dma source(%dma_start3A_46 : memref<128xi32, #tpu.memory_space<hbm>>) target(%dma_start3A_43 : memref<128xi32, #tpu.memory_space<vmem>>) target_semaphore(%arg14 : memref<!tpu.dma_semaphore, #tpu.memory_space<semaphore_mem>>)
    %mul3A_47 = arith.constant 4 : i32
    %mul3A_48 = arith.muli %select_n3A_30, %mul3A_47 : i32
    %add3A_49 = arith.constant 1 : i32
    %add3A_50 = arith.addi %mul3A_48, %add3A_49 : i32
    %dma_start3A_51 = arith.constant 1 : i32
    %dma_start3A_52 = arith.constant 0 : i32
    %dma_start3A_53 = tpu.memref_slice %arg6[%dma_start3A_51, %dma_start3A_52] : memref<4x128xi32, #tpu.memory_space<vmem>> -> memref<1x128xi32, #tpu.memory_space<vmem>>
    %dma_start3A_54 = tpu.memref_squeeze %dma_start3A_53 : memref<1x128xi32, #tpu.memory_space<vmem>> -> memref<128xi32, #tpu.memory_space<vmem>>
    %dma_start3A_55 = arith.constant 0 : i32
    %dma_start3A_56 = tpu.memref_slice %arg3[%add3A_50, %select_n3A, %dma_start3A_55] : memref<32x4x128xi32, #tpu.memory_space<hbm>> -> memref<1x1x128xi32, #tpu.memory_space<hbm>>
    %dma_start3A_57 = tpu.memref_squeeze %dma_start3A_56 : memref<1x1x128xi32, #tpu.memory_space<hbm>> -> memref<128xi32, #tpu.memory_space<hbm>>
    %dma_start3A_58 = arith.constant 0 : i32
    %dma_start3A_59 = tpu.memref_slice %arg6[%dma_start3A_51, %dma_start3A_58] : memref<4x128xi32, #tpu.memory_space<vmem>> -> memref<1x128xi32, #tpu.memory_space<vmem>>
    %dma_start3A_60 = tpu.memref_squeeze %dma_start3A_59 : memref<1x128xi32, #tpu.memory_space<vmem>> -> memref<128xi32, #tpu.memory_space<vmem>>
    %dma_start3A_61 = arith.constant 0 : i32
    %dma_start3A_62 = tpu.memref_slice %arg3[%add3A_50, %select_n3A, %dma_start3A_61] : memref<32x4x128xi32, #tpu.memory_space<hbm>> -> memref<1x1x128xi32, #tpu.memory_space<hbm>>
    %dma_start3A_63 = tpu.memref_squeeze %dma_start3A_62 : memref<1x1x128xi32, #tpu.memory_space<hbm>> -> memref<128xi32, #tpu.memory_space<hbm>>
    tpu.enqueue_dma source(%dma_start3A_63 : memref<128xi32, #tpu.memory_space<hbm>>) target(%dma_start3A_60 : memref<128xi32, #tpu.memory_space<vmem>>) target_semaphore(%arg14 : memref<!tpu.dma_semaphore, #tpu.memory_space<semaphore_mem>>)
    %mul3A_64 = arith.constant 4 : i32
    %mul3A_65 = arith.muli %select_n3A_30, %mul3A_64 : i32
    %add3A_66 = arith.constant 2 : i32
    %add3A_67 = arith.addi %mul3A_65, %add3A_66 : i32
    %dma_start3A_68 = arith.constant 2 : i32
    %dma_start3A_69 = arith.constant 0 : i32
    %dma_start3A_70 = tpu.memref_slice %arg6[%dma_start3A_68, %dma_start3A_69] : memref<4x128xi32, #tpu.memory_space<vmem>> -> memref<1x128xi32, #tpu.memory_space<vmem>>
    %dma_start3A_71 = tpu.memref_squeeze %dma_start3A_70 : memref<1x128xi32, #tpu.memory_space<vmem>> -> memref<128xi32, #tpu.memory_space<vmem>>
    %dma_start3A_72 = arith.constant 0 : i32
    %dma_start3A_73 = tpu.memref_slice %arg3[%add3A_67, %select_n3A, %dma_start3A_72] : memref<32x4x128xi32, #tpu.memory_space<hbm>> -> memref<1x1x128xi32, #tpu.memory_space<hbm>>
    %dma_start3A_74 = tpu.memref_squeeze %dma_start3A_73 : memref<1x1x128xi32, #tpu.memory_space<hbm>> -> memref<128xi32, #tpu.memory_space<hbm>>
    %dma_start3A_75 = arith.constant 0 : i32
    %dma_start3A_76 = tpu.memref_slice %arg6[%dma_start3A_68, %dma_start3A_75] : memref<4x128xi32, #tpu.memory_space<vmem>> -> memref<1x128xi32, #tpu.memory_space<vmem>>
    %dma_start3A_77 = tpu.memref_squeeze %dma_start3A_76 : memref<1x128xi32, #tpu.memory_space<vmem>> -> memref<128xi32, #tpu.memory_space<vmem>>
    %dma_start3A_78 = arith.constant 0 : i32
    %dma_start3A_79 = tpu.memref_slice %arg3[%add3A_67, %select_n3A, %dma_start3A_78] : memref<32x4x128xi32, #tpu.memory_space<hbm>> -> memref<1x1x128xi32, #tpu.memory_space<hbm>>
    %dma_start3A_80 = tpu.memref_squeeze %dma_start3A_79 : memref<1x1x128xi32, #tpu.memory_space<hbm>> -> memref<128xi32, #tpu.memory_space<hbm>>
    tpu.enqueue_dma source(%dma_start3A_80 : memref<128xi32, #tpu.memory_space<hbm>>) target(%dma_start3A_77 : memref<128xi32, #tpu.memory_space<vmem>>) target_semaphore(%arg14 : memref<!tpu.dma_semaphore, #tpu.memory_space<semaphore_mem>>)
    %mul3A_81 = arith.constant 4 : i32
    %mul3A_82 = arith.muli %select_n3A_30, %mul3A_81 : i32
    %add3A_83 = arith.constant 3 : i32
    %add3A_84 = arith.addi %mul3A_82, %add3A_83 : i32
    %dma_start3A_85 = arith.constant 3 : i32
    %dma_start3A_86 = arith.constant 0 : i32
    %dma_start3A_87 = tpu.memref_slice %arg6[%dma_start3A_85, %dma_start3A_86] : memref<4x128xi32, #tpu.memory_space<vmem>> -> memref<1x128xi32, #tpu.memory_space<vmem>>
    %dma_start3A_88 = tpu.memref_squeeze %dma_start3A_87 : memref<1x128xi32, #tpu.memory_space<vmem>> -> memref<128xi32, #tpu.memory_space<vmem>>
    %dma_start3A_89 = arith.constant 0 : i32
    %dma_start3A_90 = tpu.memref_slice %arg3[%add3A_84, %select_n3A, %dma_start3A_89] : memref<32x4x128xi32, #tpu.memory_space<hbm>> -> memref<1x1x128xi32, #tpu.memory_space<hbm>>
    %dma_start3A_91 = tpu.memref_squeeze %dma_start3A_90 : memref<1x1x128xi32, #tpu.memory_space<hbm>> -> memref<128xi32, #tpu.memory_space<hbm>>
    %dma_start3A_92 = arith.constant 0 : i32
    %dma_start3A_93 = tpu.memref_slice %arg6[%dma_start3A_85, %dma_start3A_92] : memref<4x128xi32, #tpu.memory_space<vmem>> -> memref<1x128xi32, #tpu.memory_space<vmem>>
    %dma_start3A_94 = tpu.memref_squeeze %dma_start3A_93 : memref<1x128xi32, #tpu.memory_space<vmem>> -> memref<128xi32, #tpu.memory_space<vmem>>
    %dma_start3A_95 = arith.constant 0 : i32
    %dma_start3A_96 = tpu.memref_slice %arg3[%add3A_84, %select_n3A, %dma_start3A_95] : memref<32x4x128xi32, #tpu.memory_space<hbm>> -> memref<1x1x128xi32, #tpu.memory_space<hbm>>
    %dma_start3A_97 = tpu.memref_squeeze %dma_start3A_96 : memref<1x1x128xi32, #tpu.memory_space<hbm>> -> memref<128xi32, #tpu.memory_space<hbm>>
    tpu.enqueue_dma source(%dma_start3A_97 : memref<128xi32, #tpu.memory_space<hbm>>) target(%dma_start3A_94 : memref<128xi32, #tpu.memory_space<vmem>>) target_semaphore(%arg14 : memref<!tpu.dma_semaphore, #tpu.memory_space<semaphore_mem>>)
    %mul3A_98 = arith.constant 512 : i32
    %mul3A_99 = arith.muli %add3A, %mul3A_98 : i32
    %dma_start3A_100 = arith.constant 0 : i32
    %dma_start3A_101 = arith.constant 0 : i32
    %dma_start3A_102 = tpu.memref_slice %arg7[%dma_start3A_100, %dma_start3A_101] : memref<512x128xf32, #tpu.memory_space<vmem>> -> memref<512x64xf32, #tpu.memory_space<vmem>>
    %dma_start3A_103 = arith.constant 0 : i32
    %dma_start3A_104 = tpu.memref_slice %arg2[%mul3A_99, %dma_start3A_103] : memref<16384x64xf32, #tpu.memory_space<hbm>> -> memref<512x64xf32, #tpu.memory_space<hbm>>
    %dma_start3A_105 = arith.constant 0 : i32
    %dma_start3A_106 = arith.constant 0 : i32
    %dma_start3A_107 = tpu.memref_slice %arg7[%dma_start3A_105, %dma_start3A_106] : memref<512x128xf32, #tpu.memory_space<vmem>> -> memref<512x64xf32, #tpu.memory_space<vmem>>
    %dma_start3A_108 = arith.constant 0 : i32
    %dma_start3A_109 = tpu.memref_slice %arg2[%mul3A_99, %dma_start3A_108] : memref<16384x64xf32, #tpu.memory_space<hbm>> -> memref<512x64xf32, #tpu.memory_space<hbm>>
    tpu.enqueue_dma source(%dma_start3A_109 : memref<512x64xf32, #tpu.memory_space<hbm>>) target(%dma_start3A_107 : memref<512x64xf32, #tpu.memory_space<vmem>>) target_semaphore(%arg13 : memref<!tpu.dma_semaphore, #tpu.memory_space<semaphore_mem>>)
    %broadcast_in_dim3A = arith.constant 0.000000e+00 : f32
    %broadcast_in_dim3A_110 = vector.broadcast %broadcast_in_dim3A : f32 to vector<16xf32>
    %broadcast_in_dim3A_111 = arith.constant 1.000000e+00 : f32
    %broadcast_in_dim3A_112 = vector.broadcast %broadcast_in_dim3A_111 : f32 to vector<16xf32>
    %iota3A = tpu.iota {dimensions = array<i32: 0>} : vector<16xi32>
    %swap3A = arith.constant 0 : index
    %swap3A_113 = tpu.vector_load %arg10[%swap3A] {strides = array<i32>} : memref<16xi32, #tpu.memory_space<vmem>>, vector<16xi32>,
    tpu.vector_store %arg10[%swap3A], %iota3A {strides = array<i32>} : memref<16xi32, #tpu.memory_space<vmem>>, vector<16xi32>,
    %scan3A = arith.constant 0 : i32
    %scan3A_114 = arith.constant 64 : i32
    %scan3A_115 = arith.addi %scan3A, %scan3A_114 : i32
    %scan3A_116 = arith.constant 1 : i32
    scf.for %scan3A_310 = %scan3A to %scan3A_115 step %scan3A_116  : i32 {
      %mul3A_311 = arith.constant 1 : i32
      %mul3A_312 = arith.muli %scan3A_310, %mul3A_311 : i32
      %add3A_313 = arith.constant 0 : i32
      %add3A_314 = arith.addi %add3A_313, %mul3A_312 : i32
      %scan3A_315 = arith.constant 0 : i32
      %scan3A_316 = arith.constant 8 : i32
      %scan3A_317 = arith.addi %scan3A_315, %scan3A_316 : i32
      %scan3A_318 = arith.constant 1 : i32
      scf.for %scan3A_320 = %scan3A_315 to %scan3A_317 step %scan3A_318  : i32 {
        %mul3A_321 = arith.constant 16 : i32
        %mul3A_322 = arith.muli %scan3A_320, %mul3A_321 : i32
        %add3A_323 = arith.constant 0 : i32
        %add3A_324 = arith.addi %add3A_323, %mul3A_322 : i32
        %swap3A_325 = arith.index_cast %add3A_314 : i32 to index
        %swap3A_326 = arith.index_cast %add3A_324 : i32 to index
        %swap3A_327 = tpu.vector_load %arg8[%swap3A_325, %swap3A_326] {strides = array<i32>} : memref<64x128xf32, #tpu.memory_space<vmem>>, vector<16xf32>,
        tpu.vector_store %arg8[%swap3A_325, %swap3A_326], %broadcast_in_dim3A_110 {strides = array<i32>} : memref<64x128xf32, #tpu.memory_space<vmem>>, vector<16xf32>,
      }
      %scan3A_319 = arith.constant 8 : i32
    }
    %scan3A_117 = arith.constant 64 : i32
    %scan3A_118 = arith.constant 0 : i32
    %scan3A_119 = arith.constant 16 : i32
    %scan3A_120 = arith.addi %scan3A_118, %scan3A_119 : i32
    %scan3A_121 = arith.constant 1 : i32
    scf.for %scan3A_310 = %scan3A_118 to %scan3A_120 step %scan3A_121  : i32 {
      %mul3A_311 = arith.constant 1 : i32
      %mul3A_312 = arith.muli %scan3A_310, %mul3A_311 : i32
      %add3A_313 = arith.constant 0 : i32
      %add3A_314 = arith.addi %add3A_313, %mul3A_312 : i32
      %scan3A_315 = arith.constant 0 : i32
      %scan3A_316 = arith.constant 8 : i32
      %scan3A_317 = arith.addi %scan3A_315, %scan3A_316 : i32
      %scan3A_318 = arith.constant 1 : i32
      scf.for %scan3A_320 = %scan3A_315 to %scan3A_317 step %scan3A_318  : i32 {
        %mul3A_321 = arith.constant 16 : i32
        %mul3A_322 = arith.muli %scan3A_320, %mul3A_321 : i32
        %add3A_323 = arith.constant 0 : i32
        %add3A_324 = arith.addi %add3A_323, %mul3A_322 : i32
        %swap3A_325 = arith.index_cast %add3A_314 : i32 to index
        %swap3A_326 = arith.index_cast %add3A_324 : i32 to index
        %swap3A_327 = tpu.vector_load %arg9[%swap3A_325, %swap3A_326] {strides = array<i32>} : memref<16x128xf32, #tpu.memory_space<vmem>>, vector<16xf32>,
        tpu.vector_store %arg9[%swap3A_325, %swap3A_326], %broadcast_in_dim3A_110 {strides = array<i32>} : memref<16x128xf32, #tpu.memory_space<vmem>>, vector<16xf32>,
      }
      %scan3A_319 = arith.constant 8 : i32
    }
    %scan3A_122 = arith.constant 16 : i32
    %mul3A_123 = arith.constant 64 : i32
    %mul3A_124 = arith.muli %arg1, %mul3A_123 : i32
    %dma_start3A_125 = arith.constant 0 : i32
    %dma_start3A_126 = tpu.memref_slice %arg11[%mul3A_124, %dma_start3A_125] : memref<1024x128xf32, #tpu.memory_space<vmem_shared>> -> memref<64x128xf32, #tpu.memory_space<vmem_shared>>
    %dma_start3A_127 = arith.constant 0 : i32
    %dma_start3A_128 = tpu.memref_slice %arg11[%mul3A_124, %dma_start3A_127] : memref<1024x128xf32, #tpu.memory_space<vmem_shared>> -> memref<64x128xf32, #tpu.memory_space<vmem_shared>>
    tpu.enqueue_dma source(%arg8 : memref<64x128xf32, #tpu.memory_space<vmem>>) target(%dma_start3A_128 : memref<64x128xf32, #tpu.memory_space<vmem_shared>>) target_semaphore(%arg14 : memref<!tpu.dma_semaphore, #tpu.memory_space<semaphore_mem>>)
    %eq3A_129 = arith.constant 0 : i32
    %eq3A_130 = arith.cmpi eq, %arg1, %eq3A_129 : i32
    %convert_element_type3A = arith.extui %eq3A_130 : i1 to i32
    %cond3A = arith.constant 0 : i32
    %cond3A_131 = arith.cmpi ne, %convert_element_type3A, %cond3A : i32
    scf.if %cond3A_131 {
      %dma_start3A_310 = arith.constant 0 : i32
      %dma_start3A_311 = arith.constant 0 : i32
      %dma_start3A_312 = tpu.memref_slice %arg8[%dma_start3A_310, %dma_start3A_311] : memref<64x128xf32, #tpu.memory_space<vmem>> -> memref<16x128xf32, #tpu.memory_space<vmem>>
      %dma_start3A_313 = arith.constant 0 : i32
      %dma_start3A_314 = arith.constant 0 : i32
      %dma_start3A_315 = tpu.memref_slice %arg8[%dma_start3A_313, %dma_start3A_314] : memref<64x128xf32, #tpu.memory_space<vmem>> -> memref<16x128xf32, #tpu.memory_space<vmem>>
      tpu.enqueue_dma source(%dma_start3A_315 : memref<16x128xf32, #tpu.memory_space<vmem>>) target(%arg12 : memref<16x128xf32, #tpu.memory_space<vmem_shared>>) target_semaphore(%arg14 : memref<!tpu.dma_semaphore, #tpu.memory_space<semaphore_mem>>)
      %dma_wait3A_316 = arith.constant 0 : i32
      %dma_wait3A_317 = arith.constant 0 : i32
      %dma_wait3A_318 = tpu.memref_slice %arg8[%dma_wait3A_316, %dma_wait3A_317] : memref<64x128xf32, #tpu.memory_space<vmem>> -> memref<16x128xf32, #tpu.memory_space<vmem>>
      %dma_wait3A_319 = arith.constant 0 : i32
      %dma_wait3A_320 = arith.constant 0 : i32
      %dma_wait3A_321 = tpu.memref_slice %arg8[%dma_wait3A_319, %dma_wait3A_320] : memref<64x128xf32, #tpu.memory_space<vmem>> -> memref<16x128xf32, #tpu.memory_space<vmem>>
      tpu.wait_dma2 semaphore(%arg14 : memref<!tpu.dma_semaphore, #tpu.memory_space<semaphore_mem>>) src(%dma_wait3A_321 : memref<16x128xf32, #tpu.memory_space<vmem>>) dst(%arg12 : memref<16x128xf32, #tpu.memory_space<vmem_shared>>)
    } else {
    }
    %dma_wait3A = arith.constant 0 : i32
    %dma_wait3A_132 = arith.constant 0 : i32
    %dma_wait3A_133 = tpu.memref_slice %arg6[%dma_wait3A, %dma_wait3A_132] : memref<4x128xi32, #tpu.memory_space<vmem>> -> memref<1x128xi32, #tpu.memory_space<vmem>>
    %dma_wait3A_134 = tpu.memref_squeeze %dma_wait3A_133 : memref<1x128xi32, #tpu.memory_space<vmem>> -> memref<128xi32, #tpu.memory_space<vmem>>
    %dma_wait3A_135 = arith.constant 0 : i32
    %dma_wait3A_136 = tpu.memref_slice %arg3[%add3A_34, %select_n3A, %dma_wait3A_135] : memref<32x4x128xi32, #tpu.memory_space<hbm>> -> memref<1x1x128xi32, #tpu.memory_space<hbm>>
    %dma_wait3A_137 = tpu.memref_squeeze %dma_wait3A_136 : memref<1x1x128xi32, #tpu.memory_space<hbm>> -> memref<128xi32, #tpu.memory_space<hbm>>
    %dma_wait3A_138 = arith.constant 0 : i32
    %dma_wait3A_139 = tpu.memref_slice %arg6[%dma_wait3A, %dma_wait3A_138] : memref<4x128xi32, #tpu.memory_space<vmem>> -> memref<1x128xi32, #tpu.memory_space<vmem>>
    %dma_wait3A_140 = tpu.memref_squeeze %dma_wait3A_139 : memref<1x128xi32, #tpu.memory_space<vmem>> -> memref<128xi32, #tpu.memory_space<vmem>>
    %dma_wait3A_141 = arith.constant 0 : i32
    %dma_wait3A_142 = tpu.memref_slice %arg3[%add3A_34, %select_n3A, %dma_wait3A_141] : memref<32x4x128xi32, #tpu.memory_space<hbm>> -> memref<1x1x128xi32, #tpu.memory_space<hbm>>
    %dma_wait3A_143 = tpu.memref_squeeze %dma_wait3A_142 : memref<1x1x128xi32, #tpu.memory_space<hbm>> -> memref<128xi32, #tpu.memory_space<hbm>>
    tpu.wait_dma2 semaphore(%arg14 : memref<!tpu.dma_semaphore, #tpu.memory_space<semaphore_mem>>) src(%dma_wait3A_143 : memref<128xi32, #tpu.memory_space<hbm>>) dst(%dma_wait3A_140 : memref<128xi32, #tpu.memory_space<vmem>>)
    %dma_wait3A_144 = arith.constant 1 : i32
    %dma_wait3A_145 = arith.constant 0 : i32
    %dma_wait3A_146 = tpu.memref_slice %arg6[%dma_wait3A_144, %dma_wait3A_145] : memref<4x128xi32, #tpu.memory_space<vmem>> -> memref<1x128xi32, #tpu.memory_space<vmem>>
    %dma_wait3A_147 = tpu.memref_squeeze %dma_wait3A_146 : memref<1x128xi32, #tpu.memory_space<vmem>> -> memref<128xi32, #tpu.memory_space<vmem>>
    %dma_wait3A_148 = arith.constant 0 : i32
    %dma_wait3A_149 = tpu.memref_slice %arg3[%add3A_50, %select_n3A, %dma_wait3A_148] : memref<32x4x128xi32, #tpu.memory_space<hbm>> -> memref<1x1x128xi32, #tpu.memory_space<hbm>>
    %dma_wait3A_150 = tpu.memref_squeeze %dma_wait3A_149 : memref<1x1x128xi32, #tpu.memory_space<hbm>> -> memref<128xi32, #tpu.memory_space<hbm>>
    %dma_wait3A_151 = arith.constant 0 : i32
    %dma_wait3A_152 = tpu.memref_slice %arg6[%dma_wait3A_144, %dma_wait3A_151] : memref<4x128xi32, #tpu.memory_space<vmem>> -> memref<1x128xi32, #tpu.memory_space<vmem>>
    %dma_wait3A_153 = tpu.memref_squeeze %dma_wait3A_152 : memref<1x128xi32, #tpu.memory_space<vmem>> -> memref<128xi32, #tpu.memory_space<vmem>>
    %dma_wait3A_154 = arith.constant 0 : i32
    %dma_wait3A_155 = tpu.memref_slice %arg3[%add3A_50, %select_n3A, %dma_wait3A_154] : memref<32x4x128xi32, #tpu.memory_space<hbm>> -> memref<1x1x128xi32, #tpu.memory_space<hbm>>
    %dma_wait3A_156 = tpu.memref_squeeze %dma_wait3A_155 : memref<1x1x128xi32, #tpu.memory_space<hbm>> -> memref<128xi32, #tpu.memory_space<hbm>>
    tpu.wait_dma2 semaphore(%arg14 : memref<!tpu.dma_semaphore, #tpu.memory_space<semaphore_mem>>) src(%dma_wait3A_156 : memref<128xi32, #tpu.memory_space<hbm>>) dst(%dma_wait3A_153 : memref<128xi32, #tpu.memory_space<vmem>>)
    %dma_wait3A_157 = arith.constant 2 : i32
    %dma_wait3A_158 = arith.constant 0 : i32
    %dma_wait3A_159 = tpu.memref_slice %arg6[%dma_wait3A_157, %dma_wait3A_158] : memref<4x128xi32, #tpu.memory_space<vmem>> -> memref<1x128xi32, #tpu.memory_space<vmem>>
    %dma_wait3A_160 = tpu.memref_squeeze %dma_wait3A_159 : memref<1x128xi32, #tpu.memory_space<vmem>> -> memref<128xi32, #tpu.memory_space<vmem>>
    %dma_wait3A_161 = arith.constant 0 : i32
    %dma_wait3A_162 = tpu.memref_slice %arg3[%add3A_67, %select_n3A, %dma_wait3A_161] : memref<32x4x128xi32, #tpu.memory_space<hbm>> -> memref<1x1x128xi32, #tpu.memory_space<hbm>>
    %dma_wait3A_163 = tpu.memref_squeeze %dma_wait3A_162 : memref<1x1x128xi32, #tpu.memory_space<hbm>> -> memref<128xi32, #tpu.memory_space<hbm>>
    %dma_wait3A_164 = arith.constant 0 : i32
    %dma_wait3A_165 = tpu.memref_slice %arg6[%dma_wait3A_157, %dma_wait3A_164] : memref<4x128xi32, #tpu.memory_space<vmem>> -> memref<1x128xi32, #tpu.memory_space<vmem>>
    %dma_wait3A_166 = tpu.memref_squeeze %dma_wait3A_165 : memref<1x128xi32, #tpu.memory_space<vmem>> -> memref<128xi32, #tpu.memory_space<vmem>>
    %dma_wait3A_167 = arith.constant 0 : i32
    %dma_wait3A_168 = tpu.memref_slice %arg3[%add3A_67, %select_n3A, %dma_wait3A_167] : memref<32x4x128xi32, #tpu.memory_space<hbm>> -> memref<1x1x128xi32, #tpu.memory_space<hbm>>
    %dma_wait3A_169 = tpu.memref_squeeze %dma_wait3A_168 : memref<1x1x128xi32, #tpu.memory_space<hbm>> -> memref<128xi32, #tpu.memory_space<hbm>>
    tpu.wait_dma2 semaphore(%arg14 : memref<!tpu.dma_semaphore, #tpu.memory_space<semaphore_mem>>) src(%dma_wait3A_169 : memref<128xi32, #tpu.memory_space<hbm>>) dst(%dma_wait3A_166 : memref<128xi32, #tpu.memory_space<vmem>>)
    %dma_wait3A_170 = arith.constant 3 : i32
    %dma_wait3A_171 = arith.constant 0 : i32
    %dma_wait3A_172 = tpu.memref_slice %arg6[%dma_wait3A_170, %dma_wait3A_171] : memref<4x128xi32, #tpu.memory_space<vmem>> -> memref<1x128xi32, #tpu.memory_space<vmem>>
    %dma_wait3A_173 = tpu.memref_squeeze %dma_wait3A_172 : memref<1x128xi32, #tpu.memory_space<vmem>> -> memref<128xi32, #tpu.memory_space<vmem>>
    %dma_wait3A_174 = arith.constant 0 : i32
    %dma_wait3A_175 = tpu.memref_slice %arg3[%add3A_84, %select_n3A, %dma_wait3A_174] : memref<32x4x128xi32, #tpu.memory_space<hbm>> -> memref<1x1x128xi32, #tpu.memory_space<hbm>>
    %dma_wait3A_176 = tpu.memref_squeeze %dma_wait3A_175 : memref<1x1x128xi32, #tpu.memory_space<hbm>> -> memref<128xi32, #tpu.memory_space<hbm>>
    %dma_wait3A_177 = arith.constant 0 : i32
    %dma_wait3A_178 = tpu.memref_slice %arg6[%dma_wait3A_170, %dma_wait3A_177] : memref<4x128xi32, #tpu.memory_space<vmem>> -> memref<1x128xi32, #tpu.memory_space<vmem>>
    %dma_wait3A_179 = tpu.memref_squeeze %dma_wait3A_178 : memref<1x128xi32, #tpu.memory_space<vmem>> -> memref<128xi32, #tpu.memory_space<vmem>>
    %dma_wait3A_180 = arith.constant 0 : i32
    %dma_wait3A_181 = tpu.memref_slice %arg3[%add3A_84, %select_n3A, %dma_wait3A_180] : memref<32x4x128xi32, #tpu.memory_space<hbm>> -> memref<1x1x128xi32, #tpu.memory_space<hbm>>
    %dma_wait3A_182 = tpu.memref_squeeze %dma_wait3A_181 : memref<1x1x128xi32, #tpu.memory_space<hbm>> -> memref<128xi32, #tpu.memory_space<hbm>>
    tpu.wait_dma2 semaphore(%arg14 : memref<!tpu.dma_semaphore, #tpu.memory_space<semaphore_mem>>) src(%dma_wait3A_182 : memref<128xi32, #tpu.memory_space<hbm>>) dst(%dma_wait3A_179 : memref<128xi32, #tpu.memory_space<vmem>>)
    %dma_wait3A_183 = arith.constant 0 : i32
    %dma_wait3A_184 = tpu.memref_slice %arg11[%mul3A_124, %dma_wait3A_183] : memref<1024x128xf32, #tpu.memory_space<vmem_shared>> -> memref<64x128xf32, #tpu.memory_space<vmem_shared>>
    %dma_wait3A_185 = arith.constant 0 : i32
    %dma_wait3A_186 = tpu.memref_slice %arg11[%mul3A_124, %dma_wait3A_185] : memref<1024x128xf32, #tpu.memory_space<vmem_shared>> -> memref<64x128xf32, #tpu.memory_space<vmem_shared>>
    tpu.wait_dma2 semaphore(%arg14 : memref<!tpu.dma_semaphore, #tpu.memory_space<semaphore_mem>>) src(%arg8 : memref<64x128xf32, #tpu.memory_space<vmem>>) dst(%dma_wait3A_186 : memref<64x128xf32, #tpu.memory_space<vmem_shared>>)
    %scan3A_187 = arith.constant 0 : i32
    %scan3A_188 = arith.constant 4 : i32
    %scan3A_189 = arith.addi %scan3A_187, %scan3A_188 : i32
    %scan3A_190 = arith.constant 1 : i32
    scf.for %scan3A_310 = %scan3A_187 to %scan3A_189 step %scan3A_190  : i32 {
      %mul3A_311 = arith.constant 1 : i32
      %mul3A_312 = arith.muli %scan3A_310, %mul3A_311 : i32
      %add3A_313 = arith.constant 0 : i32
      %add3A_314 = arith.addi %add3A_313, %mul3A_312 : i32
      %scan3A_315 = arith.constant 0 : i32
      %scan3A_316 = arith.constant 8 : i32
      %scan3A_317 = arith.addi %scan3A_315, %scan3A_316 : i32
      %scan3A_318 = arith.constant 1 : i32
      scf.for %scan3A_320 = %scan3A_315 to %scan3A_317 step %scan3A_318  : i32 {
        %mul3A_321 = arith.constant 16 : i32
        %mul3A_322 = arith.muli %scan3A_320, %mul3A_321 : i32
        %add3A_323 = arith.constant 0 : i32
        %add3A_324 = arith.addi %add3A_323, %mul3A_322 : i32
        %get3A = arith.index_cast %add3A_314 : i32 to index
        %get3A_325 = arith.index_cast %add3A_324 : i32 to index
        %get3A_326 = tpu.vector_load %arg6[%get3A, %get3A_325] {strides = array<i32>} : memref<4x128xi32, #tpu.memory_space<vmem>>, vector<16xi32>,
        %shift_right_logical3A = arith.constant 7 : i32
        %shift_right_logical3A_327 = vector.broadcast %shift_right_logical3A : i32 to vector<16xi32>
        %shift_right_logical3A_328 = arith.shrui %get3A_326, %shift_right_logical3A_327 : vector<16xi32>
        %and3A_329 = arith.constant 127 : i32
        %and3A_330 = vector.broadcast %and3A_329 : i32 to vector<16xi32>
        %and3A_331 = arith.andi %get3A_326, %and3A_330 : vector<16xi32>
        tpu.vector_store_idx %arg9[%shift_right_logical3A_328, %and3A_331], %broadcast_in_dim3A_112 {add = true} : memref<16x128xf32, #tpu.memory_space<vmem>>[vector<16xi32>, vector<16xi32>], vector<16xf32>,
      }
      %scan3A_319 = arith.constant 8 : i32
    }
    %scan3A_191 = arith.constant 4 : i32
    %dma_wait3A_192 = arith.constant 0 : i32
    %dma_wait3A_193 = arith.constant 0 : i32
    %dma_wait3A_194 = tpu.memref_slice %arg7[%dma_wait3A_192, %dma_wait3A_193] : memref<512x128xf32, #tpu.memory_space<vmem>> -> memref<512x64xf32, #tpu.memory_space<vmem>>
    %dma_wait3A_195 = arith.constant 0 : i32
    %dma_wait3A_196 = tpu.memref_slice %arg2[%mul3A_99, %dma_wait3A_195] : memref<16384x64xf32, #tpu.memory_space<hbm>> -> memref<512x64xf32, #tpu.memory_space<hbm>>
    %dma_wait3A_197 = arith.constant 0 : i32
    %dma_wait3A_198 = arith.constant 0 : i32
    %dma_wait3A_199 = tpu.memref_slice %arg7[%dma_wait3A_197, %dma_wait3A_198] : memref<512x128xf32, #tpu.memory_space<vmem>> -> memref<512x64xf32, #tpu.memory_space<vmem>>
    %dma_wait3A_200 = arith.constant 0 : i32
    %dma_wait3A_201 = tpu.memref_slice %arg2[%mul3A_99, %dma_wait3A_200] : memref<16384x64xf32, #tpu.memory_space<hbm>> -> memref<512x64xf32, #tpu.memory_space<hbm>>
    tpu.wait_dma2 semaphore(%arg13 : memref<!tpu.dma_semaphore, #tpu.memory_space<semaphore_mem>>) src(%dma_wait3A_201 : memref<512x64xf32, #tpu.memory_space<hbm>>) dst(%dma_wait3A_199 : memref<512x64xf32, #tpu.memory_space<vmem>>)
    %scan3A_202 = arith.constant 0 : i32
    %scan3A_203 = arith.constant 512 : i32
    %scan3A_204 = arith.addi %scan3A_202, %scan3A_203 : i32
    %scan3A_205 = arith.constant 1 : i32
    scf.for %scan3A_310 = %scan3A_202 to %scan3A_204 step %scan3A_205  : i32 {
      %mul3A_311 = arith.constant 1 : i32
      %mul3A_312 = arith.muli %scan3A_310, %mul3A_311 : i32
      %add3A_313 = arith.constant 0 : i32
      %add3A_314 = arith.addi %add3A_313, %mul3A_312 : i32
      %scan3A_315 = arith.constant 0 : i32
      %scan3A_316 = arith.constant 4 : i32
      %scan3A_317 = arith.addi %scan3A_315, %scan3A_316 : i32
      %scan3A_318 = arith.constant 1 : i32
      scf.for %scan3A_320 = %scan3A_315 to %scan3A_317 step %scan3A_318  : i32 {
        %mul3A_321 = arith.constant 16 : i32
        %mul3A_322 = arith.muli %scan3A_320, %mul3A_321 : i32
        %add3A_323 = arith.constant 0 : i32
        %add3A_324 = arith.addi %add3A_323, %mul3A_322 : i32
        %get3A = arith.index_cast %add3A_314 : i32 to index
        %get3A_325 = arith.index_cast %add3A_324 : i32 to index
        %get3A_326 = tpu.vector_load %arg7[%get3A, %get3A_325] {strides = array<i32>} : memref<512x128xf32, #tpu.memory_space<vmem>>, vector<16xf32>,
        %mul3A_327 = arith.mulf %get3A_326, %get3A_326 : vector<16xf32>
        %add3A_328 = arith.constant 64 : i32
        %add3A_329 = arith.addi %add3A_328, %add3A_324 : i32
        %swap3A_330 = arith.index_cast %add3A_314 : i32 to index
        %swap3A_331 = arith.index_cast %add3A_329 : i32 to index
        %swap3A_332 = tpu.vector_load %arg7[%swap3A_330, %swap3A_331] {strides = array<i32>} : memref<512x128xf32, #tpu.memory_space<vmem>>, vector<16xf32>,
        tpu.vector_store %arg7[%swap3A_330, %swap3A_331], %mul3A_327 {strides = array<i32>} : memref<512x128xf32, #tpu.memory_space<vmem>>, vector<16xf32>,
      }
      %scan3A_319 = arith.constant 4 : i32
    }
    %scan3A_206 = arith.constant 512 : i32
    %barrier3A = arith.constant 0 : index
    tpu.barrier barrier_id(%barrier3A)
    %dma_start3A_207 = arith.constant 0 : i32
    %dma_start3A_208 = arith.constant 0 : i32
    %dma_start3A_209 = arith.constant 0 : i32
    %dma_start3A_210 = tpu.memref_slice %arg7[%dma_start3A_208, %dma_start3A_209] : memref<512x128xf32, #tpu.memory_space<vmem>> -> memref<128x128xf32, #tpu.memory_space<vmem>>
    %dma_start3A_211 = arith.constant 0 : i32
    %dma_start3A_212 = tpu.memref_slice %arg6[%dma_start3A_207, %dma_start3A_211] : memref<4x128xi32, #tpu.memory_space<vmem>> -> memref<1x128xi32, #tpu.memory_space<vmem>>
    %dma_start3A_213 = tpu.memref_squeeze %dma_start3A_212 : memref<1x128xi32, #tpu.memory_space<vmem>> -> memref<128xi32, #tpu.memory_space<vmem>>
    %dma_start3A_214 = arith.constant 0 : i32
    %dma_start3A_215 = arith.constant 0 : i32
    %dma_start3A_216 = tpu.memref_slice %arg11[%dma_start3A_214, %dma_start3A_215] : memref<1024x128xf32, #tpu.memory_space<vmem_shared>> -> memref<1024x128xf32, #tpu.memory_space<vmem_shared>>
    tpu.enqueue_indirect_dma source(%dma_start3A_210 : memref<128x128xf32, #tpu.memory_space<vmem>>) target(%dma_start3A_216 : memref<1024x128xf32, #tpu.memory_space<vmem_shared>>) offsets(%dma_start3A_213 : memref<128xi32, #tpu.memory_space<vmem>>) semaphore(%arg14 : memref<!tpu.dma_semaphore, #tpu.memory_space<semaphore_mem>>) {add = true}
    %dma_start3A_217 = arith.constant 1 : i32
    %dma_start3A_218 = arith.constant 128 : i32
    %dma_start3A_219 = arith.constant 0 : i32
    %dma_start3A_220 = tpu.memref_slice %arg7[%dma_start3A_218, %dma_start3A_219] : memref<512x128xf32, #tpu.memory_space<vmem>> -> memref<128x128xf32, #tpu.memory_space<vmem>>
    %dma_start3A_221 = arith.constant 0 : i32
    %dma_start3A_222 = tpu.memref_slice %arg6[%dma_start3A_217, %dma_start3A_221] : memref<4x128xi32, #tpu.memory_space<vmem>> -> memref<1x128xi32, #tpu.memory_space<vmem>>
    %dma_start3A_223 = tpu.memref_squeeze %dma_start3A_222 : memref<1x128xi32, #tpu.memory_space<vmem>> -> memref<128xi32, #tpu.memory_space<vmem>>
    %dma_start3A_224 = arith.constant 0 : i32
    %dma_start3A_225 = arith.constant 0 : i32
    %dma_start3A_226 = tpu.memref_slice %arg11[%dma_start3A_224, %dma_start3A_225] : memref<1024x128xf32, #tpu.memory_space<vmem_shared>> -> memref<1024x128xf32, #tpu.memory_space<vmem_shared>>
    tpu.enqueue_indirect_dma source(%dma_start3A_220 : memref<128x128xf32, #tpu.memory_space<vmem>>) target(%dma_start3A_226 : memref<1024x128xf32, #tpu.memory_space<vmem_shared>>) offsets(%dma_start3A_223 : memref<128xi32, #tpu.memory_space<vmem>>) semaphore(%arg14 : memref<!tpu.dma_semaphore, #tpu.memory_space<semaphore_mem>>) {add = true}
    %dma_start3A_227 = arith.constant 2 : i32
    %dma_start3A_228 = arith.constant 256 : i32
    %dma_start3A_229 = arith.constant 0 : i32
    %dma_start3A_230 = tpu.memref_slice %arg7[%dma_start3A_228, %dma_start3A_229] : memref<512x128xf32, #tpu.memory_space<vmem>> -> memref<128x128xf32, #tpu.memory_space<vmem>>
    %dma_start3A_231 = arith.constant 0 : i32
    %dma_start3A_232 = tpu.memref_slice %arg6[%dma_start3A_227, %dma_start3A_231] : memref<4x128xi32, #tpu.memory_space<vmem>> -> memref<1x128xi32, #tpu.memory_space<vmem>>
    %dma_start3A_233 = tpu.memref_squeeze %dma_start3A_232 : memref<1x128xi32, #tpu.memory_space<vmem>> -> memref<128xi32, #tpu.memory_space<vmem>>
    %dma_start3A_234 = arith.constant 0 : i32
    %dma_start3A_235 = arith.constant 0 : i32
    %dma_start3A_236 = tpu.memref_slice %arg11[%dma_start3A_234, %dma_start3A_235] : memref<1024x128xf32, #tpu.memory_space<vmem_shared>> -> memref<1024x128xf32, #tpu.memory_space<vmem_shared>>
    tpu.enqueue_indirect_dma source(%dma_start3A_230 : memref<128x128xf32, #tpu.memory_space<vmem>>) target(%dma_start3A_236 : memref<1024x128xf32, #tpu.memory_space<vmem_shared>>) offsets(%dma_start3A_233 : memref<128xi32, #tpu.memory_space<vmem>>) semaphore(%arg14 : memref<!tpu.dma_semaphore, #tpu.memory_space<semaphore_mem>>) {add = true}
    %dma_start3A_237 = arith.constant 3 : i32
    %dma_start3A_238 = arith.constant 384 : i32
    %dma_start3A_239 = arith.constant 0 : i32
    %dma_start3A_240 = tpu.memref_slice %arg7[%dma_start3A_238, %dma_start3A_239] : memref<512x128xf32, #tpu.memory_space<vmem>> -> memref<128x128xf32, #tpu.memory_space<vmem>>
    %dma_start3A_241 = arith.constant 0 : i32
    %dma_start3A_242 = tpu.memref_slice %arg6[%dma_start3A_237, %dma_start3A_241] : memref<4x128xi32, #tpu.memory_space<vmem>> -> memref<1x128xi32, #tpu.memory_space<vmem>>
    %dma_start3A_243 = tpu.memref_squeeze %dma_start3A_242 : memref<1x128xi32, #tpu.memory_space<vmem>> -> memref<128xi32, #tpu.memory_space<vmem>>
    %dma_start3A_244 = arith.constant 0 : i32
    %dma_start3A_245 = arith.constant 0 : i32
    %dma_start3A_246 = tpu.memref_slice %arg11[%dma_start3A_244, %dma_start3A_245] : memref<1024x128xf32, #tpu.memory_space<vmem_shared>> -> memref<1024x128xf32, #tpu.memory_space<vmem_shared>>
    tpu.enqueue_indirect_dma source(%dma_start3A_240 : memref<128x128xf32, #tpu.memory_space<vmem>>) target(%dma_start3A_246 : memref<1024x128xf32, #tpu.memory_space<vmem_shared>>) offsets(%dma_start3A_243 : memref<128xi32, #tpu.memory_space<vmem>>) semaphore(%arg14 : memref<!tpu.dma_semaphore, #tpu.memory_space<semaphore_mem>>) {add = true}
    %dma_start3A_247 = arith.constant 0 : i32
    %dma_start3A_248 = arith.constant 0 : i32
    %dma_start3A_249 = tpu.memref_slice %arg12[%dma_start3A_247, %dma_start3A_248] : memref<16x128xf32, #tpu.memory_space<vmem_shared>> -> memref<16x128xf32, #tpu.memory_space<vmem_shared>>
    tpu.enqueue_indirect_dma source(%arg9 : memref<16x128xf32, #tpu.memory_space<vmem>>) target(%dma_start3A_249 : memref<16x128xf32, #tpu.memory_space<vmem_shared>>) offsets(%arg10 : memref<16xi32, #tpu.memory_space<vmem>>) semaphore(%arg14 : memref<!tpu.dma_semaphore, #tpu.memory_space<semaphore_mem>>) {add = true}
    %dma_wait3A_250 = arith.constant 0 : i32
    %dma_wait3A_251 = arith.constant 0 : i32
    %dma_wait3A_252 = arith.constant 0 : i32
    %dma_wait3A_253 = tpu.memref_slice %arg7[%dma_wait3A_251, %dma_wait3A_252] : memref<512x128xf32, #tpu.memory_space<vmem>> -> memref<128x128xf32, #tpu.memory_space<vmem>>
    %dma_wait3A_254 = arith.constant 0 : i32
    %dma_wait3A_255 = tpu.memref_slice %arg6[%dma_wait3A_250, %dma_wait3A_254] : memref<4x128xi32, #tpu.memory_space<vmem>> -> memref<1x128xi32, #tpu.memory_space<vmem>>
    %dma_wait3A_256 = tpu.memref_squeeze %dma_wait3A_255 : memref<1x128xi32, #tpu.memory_space<vmem>> -> memref<128xi32, #tpu.memory_space<vmem>>
    %dma_wait3A_257 = arith.constant 0 : i32
    %dma_wait3A_258 = arith.constant 0 : i32
    %dma_wait3A_259 = tpu.memref_slice %arg11[%dma_wait3A_257, %dma_wait3A_258] : memref<1024x128xf32, #tpu.memory_space<vmem_shared>> -> memref<1024x128xf32, #tpu.memory_space<vmem_shared>>
    tpu.wait_indirect_dma semaphore(%arg14 : memref<!tpu.dma_semaphore, #tpu.memory_space<semaphore_mem>>) src(%dma_wait3A_253 : memref<128x128xf32, #tpu.memory_space<vmem>>) dst(%dma_wait3A_259 : memref<1024x128xf32, #tpu.memory_space<vmem_shared>>)
    %dma_wait3A_260 = arith.constant 1 : i32
    %dma_wait3A_261 = arith.constant 128 : i32
    %dma_wait3A_262 = arith.constant 0 : i32
    %dma_wait3A_263 = tpu.memref_slice %arg7[%dma_wait3A_261, %dma_wait3A_262] : memref<512x128xf32, #tpu.memory_space<vmem>> -> memref<128x128xf32, #tpu.memory_space<vmem>>
    %dma_wait3A_264 = arith.constant 0 : i32
    %dma_wait3A_265 = tpu.memref_slice %arg6[%dma_wait3A_260, %dma_wait3A_264] : memref<4x128xi32, #tpu.memory_space<vmem>> -> memref<1x128xi32, #tpu.memory_space<vmem>>
    %dma_wait3A_266 = tpu.memref_squeeze %dma_wait3A_265 : memref<1x128xi32, #tpu.memory_space<vmem>> -> memref<128xi32, #tpu.memory_space<vmem>>
    %dma_wait3A_267 = arith.constant 0 : i32
    %dma_wait3A_268 = arith.constant 0 : i32
    %dma_wait3A_269 = tpu.memref_slice %arg11[%dma_wait3A_267, %dma_wait3A_268] : memref<1024x128xf32, #tpu.memory_space<vmem_shared>> -> memref<1024x128xf32, #tpu.memory_space<vmem_shared>>
    tpu.wait_indirect_dma semaphore(%arg14 : memref<!tpu.dma_semaphore, #tpu.memory_space<semaphore_mem>>) src(%dma_wait3A_263 : memref<128x128xf32, #tpu.memory_space<vmem>>) dst(%dma_wait3A_269 : memref<1024x128xf32, #tpu.memory_space<vmem_shared>>)
    %dma_wait3A_270 = arith.constant 2 : i32
    %dma_wait3A_271 = arith.constant 256 : i32
    %dma_wait3A_272 = arith.constant 0 : i32
    %dma_wait3A_273 = tpu.memref_slice %arg7[%dma_wait3A_271, %dma_wait3A_272] : memref<512x128xf32, #tpu.memory_space<vmem>> -> memref<128x128xf32, #tpu.memory_space<vmem>>
    %dma_wait3A_274 = arith.constant 0 : i32
    %dma_wait3A_275 = tpu.memref_slice %arg6[%dma_wait3A_270, %dma_wait3A_274] : memref<4x128xi32, #tpu.memory_space<vmem>> -> memref<1x128xi32, #tpu.memory_space<vmem>>
    %dma_wait3A_276 = tpu.memref_squeeze %dma_wait3A_275 : memref<1x128xi32, #tpu.memory_space<vmem>> -> memref<128xi32, #tpu.memory_space<vmem>>
    %dma_wait3A_277 = arith.constant 0 : i32
    %dma_wait3A_278 = arith.constant 0 : i32
    %dma_wait3A_279 = tpu.memref_slice %arg11[%dma_wait3A_277, %dma_wait3A_278] : memref<1024x128xf32, #tpu.memory_space<vmem_shared>> -> memref<1024x128xf32, #tpu.memory_space<vmem_shared>>
    tpu.wait_indirect_dma semaphore(%arg14 : memref<!tpu.dma_semaphore, #tpu.memory_space<semaphore_mem>>) src(%dma_wait3A_273 : memref<128x128xf32, #tpu.memory_space<vmem>>) dst(%dma_wait3A_279 : memref<1024x128xf32, #tpu.memory_space<vmem_shared>>)
    %dma_wait3A_280 = arith.constant 3 : i32
    %dma_wait3A_281 = arith.constant 384 : i32
    %dma_wait3A_282 = arith.constant 0 : i32
    %dma_wait3A_283 = tpu.memref_slice %arg7[%dma_wait3A_281, %dma_wait3A_282] : memref<512x128xf32, #tpu.memory_space<vmem>> -> memref<128x128xf32, #tpu.memory_space<vmem>>
    %dma_wait3A_284 = arith.constant 0 : i32
    %dma_wait3A_285 = tpu.memref_slice %arg6[%dma_wait3A_280, %dma_wait3A_284] : memref<4x128xi32, #tpu.memory_space<vmem>> -> memref<1x128xi32, #tpu.memory_space<vmem>>
    %dma_wait3A_286 = tpu.memref_squeeze %dma_wait3A_285 : memref<1x128xi32, #tpu.memory_space<vmem>> -> memref<128xi32, #tpu.memory_space<vmem>>
    %dma_wait3A_287 = arith.constant 0 : i32
    %dma_wait3A_288 = arith.constant 0 : i32
    %dma_wait3A_289 = tpu.memref_slice %arg11[%dma_wait3A_287, %dma_wait3A_288] : memref<1024x128xf32, #tpu.memory_space<vmem_shared>> -> memref<1024x128xf32, #tpu.memory_space<vmem_shared>>
    tpu.wait_indirect_dma semaphore(%arg14 : memref<!tpu.dma_semaphore, #tpu.memory_space<semaphore_mem>>) src(%dma_wait3A_283 : memref<128x128xf32, #tpu.memory_space<vmem>>) dst(%dma_wait3A_289 : memref<1024x128xf32, #tpu.memory_space<vmem_shared>>)
    %dma_wait3A_290 = arith.constant 0 : i32
    %dma_wait3A_291 = arith.constant 0 : i32
    %dma_wait3A_292 = tpu.memref_slice %arg12[%dma_wait3A_290, %dma_wait3A_291] : memref<16x128xf32, #tpu.memory_space<vmem_shared>> -> memref<16x128xf32, #tpu.memory_space<vmem_shared>>
    tpu.wait_indirect_dma semaphore(%arg14 : memref<!tpu.dma_semaphore, #tpu.memory_space<semaphore_mem>>) src(%arg9 : memref<16x128xf32, #tpu.memory_space<vmem>>) dst(%dma_wait3A_292 : memref<16x128xf32, #tpu.memory_space<vmem_shared>>)
    %barrier3A_293 = arith.constant 0 : index
    tpu.barrier barrier_id(%barrier3A_293)
    %mul3A_294 = arith.constant 1024 : i32
    %mul3A_295 = arith.muli %arg0, %mul3A_294 : i32
    %add3A_296 = arith.addi %mul3A_295, %mul3A_124 : i32
    %dma_start3A_297 = arith.constant 0 : i32
    %dma_start3A_298 = tpu.memref_slice %arg4[%add3A_296, %dma_start3A_297] : memref<2048x128xf32, #tpu.memory_space<hbm>> -> memref<64x128xf32, #tpu.memory_space<hbm>>
    %dma_start3A_299 = arith.constant 0 : i32
    %dma_start3A_300 = tpu.memref_slice %arg11[%mul3A_124, %dma_start3A_299] : memref<1024x128xf32, #tpu.memory_space<vmem_shared>> -> memref<64x128xf32, #tpu.memory_space<vmem_shared>>
    tpu.enqueue_dma source(%dma_start3A_300 : memref<64x128xf32, #tpu.memory_space<vmem_shared>>) target(%dma_start3A_298 : memref<64x128xf32, #tpu.memory_space<hbm>>) target_semaphore(%arg14 : memref<!tpu.dma_semaphore, #tpu.memory_space<semaphore_mem>>)
    %eq3A_301 = arith.constant 0 : i32
    %eq3A_302 = arith.cmpi eq, %arg1, %eq3A_301 : i32
    %convert_element_type3A_303 = arith.extui %eq3A_302 : i1 to i32
    %cond3A_304 = arith.constant 0 : i32
    %cond3A_305 = arith.cmpi ne, %convert_element_type3A_303, %cond3A_304 : i32
    scf.if %cond3A_305 {
      %mul3A_310 = arith.constant 16 : i32
      %mul3A_311 = arith.muli %arg0, %mul3A_310 : i32
      %dma_start3A_312 = arith.constant 0 : i32
      %dma_start3A_313 = tpu.memref_slice %arg5[%mul3A_311, %dma_start3A_312] : memref<32x128xf32, #tpu.memory_space<hbm>> -> memref<16x128xf32, #tpu.memory_space<hbm>>
      tpu.enqueue_dma source(%arg12 : memref<16x128xf32, #tpu.memory_space<vmem_shared>>) target(%dma_start3A_313 : memref<16x128xf32, #tpu.memory_space<hbm>>) target_semaphore(%arg14 : memref<!tpu.dma_semaphore, #tpu.memory_space<semaphore_mem>>)
      %dma_wait3A_314 = arith.constant 0 : i32
      %dma_wait3A_315 = tpu.memref_slice %arg5[%mul3A_311, %dma_wait3A_314] : memref<32x128xf32, #tpu.memory_space<hbm>> -> memref<16x128xf32, #tpu.memory_space<hbm>>
      tpu.wait_dma2 semaphore(%arg14 : memref<!tpu.dma_semaphore, #tpu.memory_space<semaphore_mem>>) src(%arg12 : memref<16x128xf32, #tpu.memory_space<vmem_shared>>) dst(%dma_wait3A_315 : memref<16x128xf32, #tpu.memory_space<hbm>>)
    } else {
    }
    %dma_wait3A_306 = arith.constant 0 : i32
    %dma_wait3A_307 = tpu.memref_slice %arg4[%add3A_296, %dma_wait3A_306] : memref<2048x128xf32, #tpu.memory_space<hbm>> -> memref<64x128xf32, #tpu.memory_space<hbm>>
    %dma_wait3A_308 = arith.constant 0 : i32
    %dma_wait3A_309 = tpu.memref_slice %arg11[%mul3A_124, %dma_wait3A_308] : memref<1024x128xf32, #tpu.memory_space<vmem_shared>> -> memref<64x128xf32, #tpu.memory_space<vmem_shared>>
    tpu.wait_dma2 semaphore(%arg14 : memref<!tpu.dma_semaphore, #tpu.memory_space<semaphore_mem>>) src(%dma_wait3A_309 : memref<64x128xf32, #tpu.memory_space<vmem_shared>>) dst(%dma_wait3A_307 : memref<64x128xf32, #tpu.memory_space<hbm>>)
    return
  }
}

module attributes {stable_mosaic.version = 14 : i64} {
  func.func @body(%arg0: memref<2048x128xf32, #tpu.memory_space<vmem>>, %arg1: memref<32x128xf32, #tpu.memory_space<vmem>>, %arg2: memref<1x1xf32, #tpu.memory_space<smem>>, %arg3: memref<1x1xi32, #tpu.memory_space<smem>>) attributes {dimension_semantics = [], scalar_prefetch = 0 : i64, scratch_operands = 0 : i64, tpu.core_type = #tpu.core_type<tc>} {
    %get3A = arith.constant 0 : index
    %get3A_0 = arith.constant 0 : index
    %get3A_1 = vector.load %arg0[%get3A, %get3A_0] : memref<2048x128xf32, #tpu.memory_space<vmem>>, vector<1024x64xf32>
    %get3A_2 = arith.constant 1024 : index
    %get3A_3 = arith.constant 0 : index
    %get3A_4 = vector.load %arg0[%get3A_2, %get3A_3] : memref<2048x128xf32, #tpu.memory_space<vmem>>, vector<1024x64xf32>
    %add3A = arith.addf %get3A_1, %get3A_4 : vector<1024x64xf32>
    %get3A_5 = arith.constant 0 : index
    %get3A_6 = arith.constant 64 : index
    %get3A_7 = vector.load %arg0[%get3A_5, %get3A_6] : memref<2048x128xf32, #tpu.memory_space<vmem>>, vector<1024x64xf32>
    %get3A_8 = arith.constant 1024 : index
    %get3A_9 = arith.constant 64 : index
    %get3A_10 = vector.load %arg0[%get3A_8, %get3A_9] : memref<2048x128xf32, #tpu.memory_space<vmem>>, vector<1024x64xf32>
    %add3A_11 = arith.addf %get3A_7, %get3A_10 : vector<1024x64xf32>
    %get3A_12 = arith.constant 0 : index
    %get3A_13 = arith.constant 0 : index
    %get3A_14 = vector.load %arg1[%get3A_12, %get3A_13] : memref<32x128xf32, #tpu.memory_space<vmem>>, vector<8x128xf32>
    %get3A_15 = arith.constant 16 : index
    %get3A_16 = arith.constant 0 : index
    %get3A_17 = vector.load %arg1[%get3A_15, %get3A_16] : memref<32x128xf32, #tpu.memory_space<vmem>>, vector<8x128xf32>
    %add3A_18 = arith.addf %get3A_14, %get3A_17 : vector<8x128xf32>
    %iota3A = tpu.iota {dimensions = array<i32: 0>} : vector<1024x1xi32>
    %shift_right_logical3A = arith.constant 7 : i32
    %shift_right_logical3A_19 = vector.broadcast %shift_right_logical3A : i32 to vector<1024x1xi32>
    %shift_right_logical3A_20 = arith.shrui %iota3A, %shift_right_logical3A_19 : vector<1024x1xi32>
    %and3A = arith.constant 127 : i32
    %and3A_21 = vector.broadcast %and3A : i32 to vector<1024x1xi32>
    %and3A_22 = arith.andi %iota3A, %and3A_21 : vector<1024x1xi32>
    %iota3A_23 = tpu.iota {dimensions = array<i32: 1>} : vector<1024x128xi32>
    %broadcast_in_dim3A = arith.constant 0.000000e+00 : f32
    %broadcast_in_dim3A_24 = vector.broadcast %broadcast_in_dim3A : f32 to vector<1024x128xf32>
    %eq3A = arith.constant 0 : i32
    %eq3A_25 = vector.broadcast %eq3A : i32 to vector<1024x1xi32>
    %eq3A_26 = arith.cmpi eq, %shift_right_logical3A_20, %eq3A_25 : vector<1024x1xi32>
    %slice3A = vector.extract_strided_slice %add3A_18 {offsets = [0, 0], sizes = [1, 128], strides = [1, 1]} : vector<8x128xf32> to vector<1x128xf32>
    %broadcast_in_dim3A_27 = vector.shape_cast %eq3A_26 : vector<1024x1xi1> to vector<1024x1xi1>
    %broadcast_in_dim3A_28 = vector.broadcast %broadcast_in_dim3A_27 : vector<1024x1xi1> to vector<1024x128xi1>
    %broadcast_in_dim3A_29 = vector.shape_cast %slice3A : vector<1x128xf32> to vector<1x128xf32>
    %broadcast_in_dim3A_30 = vector.broadcast %broadcast_in_dim3A_29 : vector<1x128xf32> to vector<1024x128xf32>
    %select_n3A = arith.select %broadcast_in_dim3A_28, %broadcast_in_dim3A_30, %broadcast_in_dim3A_24 : vector<1024x128xi1>, vector<1024x128xf32>
    %eq3A_31 = arith.constant 1 : i32
    %eq3A_32 = vector.broadcast %eq3A_31 : i32 to vector<1024x1xi32>
    %eq3A_33 = arith.cmpi eq, %shift_right_logical3A_20, %eq3A_32 : vector<1024x1xi32>
    %slice3A_34 = vector.extract_strided_slice %add3A_18 {offsets = [1, 0], sizes = [1, 128], strides = [1, 1]} : vector<8x128xf32> to vector<1x128xf32>
    %broadcast_in_dim3A_35 = vector.shape_cast %eq3A_33 : vector<1024x1xi1> to vector<1024x1xi1>
    %broadcast_in_dim3A_36 = vector.broadcast %broadcast_in_dim3A_35 : vector<1024x1xi1> to vector<1024x128xi1>
    %broadcast_in_dim3A_37 = vector.shape_cast %slice3A_34 : vector<1x128xf32> to vector<1x128xf32>
    %broadcast_in_dim3A_38 = vector.broadcast %broadcast_in_dim3A_37 : vector<1x128xf32> to vector<1024x128xf32>
    %select_n3A_39 = arith.select %broadcast_in_dim3A_36, %broadcast_in_dim3A_38, %select_n3A : vector<1024x128xi1>, vector<1024x128xf32>
    %eq3A_40 = arith.constant 2 : i32
    %eq3A_41 = vector.broadcast %eq3A_40 : i32 to vector<1024x1xi32>
    %eq3A_42 = arith.cmpi eq, %shift_right_logical3A_20, %eq3A_41 : vector<1024x1xi32>
    %slice3A_43 = vector.extract_strided_slice %add3A_18 {offsets = [2, 0], sizes = [1, 128], strides = [1, 1]} : vector<8x128xf32> to vector<1x128xf32>
    %broadcast_in_dim3A_44 = vector.shape_cast %eq3A_42 : vector<1024x1xi1> to vector<1024x1xi1>
    %broadcast_in_dim3A_45 = vector.broadcast %broadcast_in_dim3A_44 : vector<1024x1xi1> to vector<1024x128xi1>
    %broadcast_in_dim3A_46 = vector.shape_cast %slice3A_43 : vector<1x128xf32> to vector<1x128xf32>
    %broadcast_in_dim3A_47 = vector.broadcast %broadcast_in_dim3A_46 : vector<1x128xf32> to vector<1024x128xf32>
    %select_n3A_48 = arith.select %broadcast_in_dim3A_45, %broadcast_in_dim3A_47, %select_n3A_39 : vector<1024x128xi1>, vector<1024x128xf32>
    %eq3A_49 = arith.constant 3 : i32
    %eq3A_50 = vector.broadcast %eq3A_49 : i32 to vector<1024x1xi32>
    %eq3A_51 = arith.cmpi eq, %shift_right_logical3A_20, %eq3A_50 : vector<1024x1xi32>
    %slice3A_52 = vector.extract_strided_slice %add3A_18 {offsets = [3, 0], sizes = [1, 128], strides = [1, 1]} : vector<8x128xf32> to vector<1x128xf32>
    %broadcast_in_dim3A_53 = vector.shape_cast %eq3A_51 : vector<1024x1xi1> to vector<1024x1xi1>
    %broadcast_in_dim3A_54 = vector.broadcast %broadcast_in_dim3A_53 : vector<1024x1xi1> to vector<1024x128xi1>
    %broadcast_in_dim3A_55 = vector.shape_cast %slice3A_52 : vector<1x128xf32> to vector<1x128xf32>
    %broadcast_in_dim3A_56 = vector.broadcast %broadcast_in_dim3A_55 : vector<1x128xf32> to vector<1024x128xf32>
    %select_n3A_57 = arith.select %broadcast_in_dim3A_54, %broadcast_in_dim3A_56, %select_n3A_48 : vector<1024x128xi1>, vector<1024x128xf32>
    %eq3A_58 = arith.constant 4 : i32
    %eq3A_59 = vector.broadcast %eq3A_58 : i32 to vector<1024x1xi32>
    %eq3A_60 = arith.cmpi eq, %shift_right_logical3A_20, %eq3A_59 : vector<1024x1xi32>
    %slice3A_61 = vector.extract_strided_slice %add3A_18 {offsets = [4, 0], sizes = [1, 128], strides = [1, 1]} : vector<8x128xf32> to vector<1x128xf32>
    %broadcast_in_dim3A_62 = vector.shape_cast %eq3A_60 : vector<1024x1xi1> to vector<1024x1xi1>
    %broadcast_in_dim3A_63 = vector.broadcast %broadcast_in_dim3A_62 : vector<1024x1xi1> to vector<1024x128xi1>
    %broadcast_in_dim3A_64 = vector.shape_cast %slice3A_61 : vector<1x128xf32> to vector<1x128xf32>
    %broadcast_in_dim3A_65 = vector.broadcast %broadcast_in_dim3A_64 : vector<1x128xf32> to vector<1024x128xf32>
    %select_n3A_66 = arith.select %broadcast_in_dim3A_63, %broadcast_in_dim3A_65, %select_n3A_57 : vector<1024x128xi1>, vector<1024x128xf32>
    %eq3A_67 = arith.constant 5 : i32
    %eq3A_68 = vector.broadcast %eq3A_67 : i32 to vector<1024x1xi32>
    %eq3A_69 = arith.cmpi eq, %shift_right_logical3A_20, %eq3A_68 : vector<1024x1xi32>
    %slice3A_70 = vector.extract_strided_slice %add3A_18 {offsets = [5, 0], sizes = [1, 128], strides = [1, 1]} : vector<8x128xf32> to vector<1x128xf32>
    %broadcast_in_dim3A_71 = vector.shape_cast %eq3A_69 : vector<1024x1xi1> to vector<1024x1xi1>
    %broadcast_in_dim3A_72 = vector.broadcast %broadcast_in_dim3A_71 : vector<1024x1xi1> to vector<1024x128xi1>
    %broadcast_in_dim3A_73 = vector.shape_cast %slice3A_70 : vector<1x128xf32> to vector<1x128xf32>
    %broadcast_in_dim3A_74 = vector.broadcast %broadcast_in_dim3A_73 : vector<1x128xf32> to vector<1024x128xf32>
    %select_n3A_75 = arith.select %broadcast_in_dim3A_72, %broadcast_in_dim3A_74, %select_n3A_66 : vector<1024x128xi1>, vector<1024x128xf32>
    %eq3A_76 = arith.constant 6 : i32
    %eq3A_77 = vector.broadcast %eq3A_76 : i32 to vector<1024x1xi32>
    %eq3A_78 = arith.cmpi eq, %shift_right_logical3A_20, %eq3A_77 : vector<1024x1xi32>
    %slice3A_79 = vector.extract_strided_slice %add3A_18 {offsets = [6, 0], sizes = [1, 128], strides = [1, 1]} : vector<8x128xf32> to vector<1x128xf32>
    %broadcast_in_dim3A_80 = vector.shape_cast %eq3A_78 : vector<1024x1xi1> to vector<1024x1xi1>
    %broadcast_in_dim3A_81 = vector.broadcast %broadcast_in_dim3A_80 : vector<1024x1xi1> to vector<1024x128xi1>
    %broadcast_in_dim3A_82 = vector.shape_cast %slice3A_79 : vector<1x128xf32> to vector<1x128xf32>
    %broadcast_in_dim3A_83 = vector.broadcast %broadcast_in_dim3A_82 : vector<1x128xf32> to vector<1024x128xf32>
    %select_n3A_84 = arith.select %broadcast_in_dim3A_81, %broadcast_in_dim3A_83, %select_n3A_75 : vector<1024x128xi1>, vector<1024x128xf32>
    %eq3A_85 = arith.constant 7 : i32
    %eq3A_86 = vector.broadcast %eq3A_85 : i32 to vector<1024x1xi32>
    %eq3A_87 = arith.cmpi eq, %shift_right_logical3A_20, %eq3A_86 : vector<1024x1xi32>
    %slice3A_88 = vector.extract_strided_slice %add3A_18 {offsets = [7, 0], sizes = [1, 128], strides = [1, 1]} : vector<8x128xf32> to vector<1x128xf32>
    %broadcast_in_dim3A_89 = vector.shape_cast %eq3A_87 : vector<1024x1xi1> to vector<1024x1xi1>
    %broadcast_in_dim3A_90 = vector.broadcast %broadcast_in_dim3A_89 : vector<1024x1xi1> to vector<1024x128xi1>
    %broadcast_in_dim3A_91 = vector.shape_cast %slice3A_88 : vector<1x128xf32> to vector<1x128xf32>
    %broadcast_in_dim3A_92 = vector.broadcast %broadcast_in_dim3A_91 : vector<1x128xf32> to vector<1024x128xf32>
    %select_n3A_93 = arith.select %broadcast_in_dim3A_90, %broadcast_in_dim3A_92, %select_n3A_84 : vector<1024x128xi1>, vector<1024x128xf32>
    %eq3A_94 = vector.broadcast %and3A_22 : vector<1024x1xi32> to vector<1024x128xi32>
    %eq3A_95 = arith.cmpi eq, %iota3A_23, %eq3A_94 : vector<1024x128xi32>
    %jit3A = arith.constant 0.000000e+00 : f32
    %broadcast_in_dim3A_96 = vector.broadcast %jit3A : f32 to vector<1024x128xf32>
    %select_n3A_97 = arith.select %eq3A_95, %select_n3A_93, %broadcast_in_dim3A_96 : vector<1024x128xi1>, vector<1024x128xf32>
    %reduce_sum3A = arith.constant dense<0.000000e+00> : vector<1024xf32>
    %reduce_sum3A_98 = vector.multi_reduction <add>, %select_n3A_97, %reduce_sum3A [1] : vector<1024x128xf32> to vector<1024xf32>
    %broadcast_in_dim3A_99 = vector.shape_cast %reduce_sum3A_98 : vector<1024xf32> to vector<1024x1xf32>
    %max3A = arith.constant 1.000000e+00 : f32
    %max3A_100 = vector.broadcast %max3A : f32 to vector<1024x1xf32>
    %max3A_101 = arith.maximumf %broadcast_in_dim3A_99, %max3A_100 : vector<1024x1xf32>
    %div3A = vector.broadcast %max3A_101 : vector<1024x1xf32> to vector<1024x64xf32>
    %div3A_102 = arith.divf %add3A, %div3A : vector<1024x64xf32>
    %mul3A = vector.broadcast %broadcast_in_dim3A_99 : vector<1024x1xf32> to vector<1024x64xf32>
    %mul3A_103 = arith.mulf %mul3A, %div3A_102 : vector<1024x64xf32>
    %mul3A_104 = arith.mulf %mul3A_103, %div3A_102 : vector<1024x64xf32>
    %sub3A = arith.subf %add3A_11, %mul3A_104 : vector<1024x64xf32>
    %sub3A_105 = arith.constant 1.000000e+00 : f32
    %sub3A_106 = vector.broadcast %sub3A_105 : f32 to vector<1024x1xf32>
    %sub3A_107 = arith.subf %broadcast_in_dim3A_99, %sub3A_106 : vector<1024x1xf32>
    %max3A_108 = arith.constant 1.000000e+00 : f32
    %max3A_109 = vector.broadcast %max3A_108 : f32 to vector<1024x1xf32>
    %max3A_110 = arith.maximumf %sub3A_107, %max3A_109 : vector<1024x1xf32>
    %div3A_111 = vector.broadcast %max3A_110 : vector<1024x1xf32> to vector<1024x64xf32>
    %div3A_112 = arith.divf %sub3A, %div3A_111 : vector<1024x64xf32>
    %reduce_sum3A_113 = arith.constant dense<0.000000e+00> : vector<1024xf32>
    %reduce_sum3A_114 = vector.multi_reduction <add>, %div3A_112, %reduce_sum3A_113 [1] : vector<1024x64xf32> to vector<1024xf32>
    %broadcast_in_dim3A_115 = vector.shape_cast %reduce_sum3A_114 : vector<1024xf32> to vector<1024x1xf32>
    %div3A_116 = arith.constant 6.400000e+01 : f32
    %div3A_117 = vector.broadcast %div3A_116 : f32 to vector<1024x1xf32>
    %div3A_118 = arith.divf %broadcast_in_dim3A_115, %div3A_117 : vector<1024x1xf32>
    %ge3A = arith.constant 2.000000e+00 : f32
    %ge3A_119 = vector.broadcast %ge3A : f32 to vector<1024x1xf32>
    %ge3A_120 = arith.cmpf oge, %broadcast_in_dim3A_99, %ge3A_119 : vector<1024x1xf32>
    %convert_element_type3A = arith.extui %ge3A_120 : vector<1024x1xi1> to vector<1024x1xi32>
    %reduce_sum3A_121 = vector.shape_cast %convert_element_type3A : vector<1024x1xi32> to vector<1x1024x1xi32>
    %reduce_sum3A_122 = arith.constant dense<0> : vector<1xi32>
    %reduce_sum3A_123 = vector.multi_reduction <add>, %reduce_sum3A_121, %reduce_sum3A_122 [1, 2] : vector<1x1024x1xi32> to vector<1xi32>
    %reduce_sum3A_124 = vector.shape_cast %reduce_sum3A_123 : vector<1xi32> to vector<1x1x1xi32>
    %reduce_sum3A_125 = vector.extract %reduce_sum3A_124[0, 0, 0] : i32 from vector<1x1x1xi32>
    %jit3A_126 = arith.constant 0.000000e+00 : f32
    %broadcast_in_dim3A_127 = vector.broadcast %jit3A_126 : f32 to vector<1024x1xf32>
    %select_n3A_128 = arith.select %ge3A_120, %div3A_118, %broadcast_in_dim3A_127 : vector<1024x1xi1>, vector<1024x1xf32>
    %reduce_sum3A_129 = vector.shape_cast %select_n3A_128 : vector<1024x1xf32> to vector<1x1024x1xf32>
    %reduce_sum3A_130 = arith.constant dense<0.000000e+00> : vector<1xf32>
    %reduce_sum3A_131 = vector.multi_reduction <add>, %reduce_sum3A_129, %reduce_sum3A_130 [1, 2] : vector<1x1024x1xf32> to vector<1xf32>
    %reduce_sum3A_132 = vector.shape_cast %reduce_sum3A_131 : vector<1xf32> to vector<1x1x1xf32>
    %reduce_sum3A_133 = vector.extract %reduce_sum3A_132[0, 0, 0] : f32 from vector<1x1x1xf32>
    %convert_element_type3A_134 = arith.sitofp %reduce_sum3A_125 : i32 to f32
    %max3A_135 = arith.constant 1.000000e+00 : f32
    %max3A_136 = arith.maximumf %convert_element_type3A_134, %max3A_135 : f32
    %div3A_137 = arith.divf %reduce_sum3A_133, %max3A_136 : f32
    %sub3A_138 = arith.constant 1.000000e+00 : f32
    %sub3A_139 = arith.subf %sub3A_138, %div3A_137 : f32
    %jit3A_140 = arith.constant 0.000000e+00 : f32
    %max3A_141 = arith.maximumf %jit3A_140, %sub3A_139 : f32
    %gt3A = arith.constant 0 : i32
    %gt3A_142 = arith.cmpi sgt, %reduce_sum3A_125, %gt3A : i32
    %jit3A_143 = arith.constant 0.000000e+00 : f32
    %select_n3A_144 = arith.select %gt3A_142, %max3A_141, %jit3A_143 : f32
    %swap3A = arith.constant 0 : index
    %swap3A_145 = arith.constant 0 : index
    %swap3A_146 = memref.load %arg2[%swap3A, %swap3A_145] : memref<1x1xf32, #tpu.memory_space<smem>>
    memref.store %select_n3A_144, %arg2[%swap3A, %swap3A_145] : memref<1x1xf32, #tpu.memory_space<smem>>
    %swap3A_147 = arith.constant 0 : index
    %swap3A_148 = arith.constant 0 : index
    %swap3A_149 = memref.load %arg3[%swap3A_147, %swap3A_148] : memref<1x1xi32, #tpu.memory_space<smem>>
    memref.store %reduce_sum3A_125, %arg3[%swap3A_147, %swap3A_148] : memref<1x1xi32, #tpu.memory_space<smem>>
    return
  }
}

</mosaic_0001>

<sc_bundles>
// kernel: kernel.4.cloned.1.call-start
scs
__scs_entry_jumppad:
0x0: {  	(pc) =	sbr.rel $0x88, $3  }
0x1: {  	(tag) =	ssettag $0x0;
	lr =	simm.s32 $0x1  }
0x2: {  	[smem:$0x3F9F] =	sst lr;
	_ =	strace $0xD0000000  }
0x3: {  	_ = 	snop  }
0x4: {  	_ = 	snop  }
0x5: {  	_ = 	snop  }
0x6: {  	_ = 	snop  }
0x7: {  	_ = 	snop  }
__scs_overlays_trampoline_lowered:
0x8: {  	[smem:$0x3FAE] =	sst s0  }
0x9: {  	[smem:$0x3FAF] =	sst s1  }
0xa: {  	[smem:$0x3FB0] =	sst s2  }
0xb: {  	[smem:$0x3FB1] =	sst s3  }
0xc: {  	[smem:$0x3FB2] =	sst s4  }
0xd: {  	[smem:$0x3FB3] =	sst s5  }
0xe: {  	[smem:$0x3FB4] =	sst s6  }
0xf: {  	[smem:$0x3FB5] =	sst s7  }
0x10: {  	[smem:$0x3FB6] =	sst s8  }
0x11: {  	[smem:$0x3FB7] =	sst s9;
	s0 =	simm.s32 @!p0 $0x0  }
0x12: {  	s1 =	sld [smem:$0x3F9D];
	s0 =	simm.s32 @p0 $0x1  }
0x13: {  	[smem:$0x3FB8] =	sst s0;
	s0 =	simm.s32 @!p1 $0x0  }
0x14: {  	s2 =	sld [smem:$0x3F9C];
	s0 =	simm.s32 @p1 $0x1  }
0x15: {  	[smem:$0x3FB9] =	sst s0;
	s0 =	simm.s32 @!p2 $0x0  }
0x16: {  	s3 =	sld [smem:$0x3FDB];
	s0 =	simm.s32 @p2 $0x1  }
0x17: {  	s4 =	simm.s32 $0x1BF5;
	[smem:$0x3FBB] =	sst s0  }
0x18: {  	s0 =	sld [smem:$0x3F9E];
	_ =	swait.ge [sflag:s4], $0x0  }
0x19: {  	s7 =	sld [smem:$0x3F9F]  }
0x1a: {  	s8 =	sadd.s32 $0xFFFFE003, lr  }
0x1b: {  	s9 =	sadd.s32 $0xFFFFFEF7, lr;
	s5 =	simm.s32 $0xFFFFFFFF;
	p2 =	slt.u32 s8, $0xFFFFF086  }
0x1c: {  	p1 =	slt.u32 s9, $0xF7A;
	s5 =	simm.s32 @!p2 $0x0  }
0x1d: {  	s5 =	simm.s32 @p1 $0x1;
	p0 =	seq.s32 s7, s2  }
0x1e: {  	s7 =	smul.u32 @!p0 $0xF7A, s2;
	p2 =	seq.s32 @!p0 s5, $0x0  }
0x1f: {  	s9 =	smul.u32 $0xF7A, s1;
	s8 =	simm.s32 @!p0 $0x1BF5;
	p2 =	por !p2, p0  }
0x20: {  	[sflag:s8] =	ssyncset.s32 @!p0 $0xFFFFF086;
	s6 =	sadd.s32 @!p0 s3, s7;
	s7 =	simm.s32 @!p0 $0x108  }
0x21: {  	s3 =	sadd.s32 s3, s9;
	s6 =	sadd.s32 @!p0 $0x88, s6;
	s7 =	simm.s32 @p2 $0x1082  }
0x22: {  	[simem:s7], [sflag:s8] =	dma.local @!p0 [hbm:s6], $0xF7A  }
0x23: {  	s9 =	sor.u32 $0xD0000000, s2;
	s6 =	simm.s32 $0x108;
	_ =	swait.ge @!p0 [sflag:s8], $0x0  }
0x24: {  	s3 =	sadd.s32 $0x88, s3;
	s6 =	simm.s32 @!p1 $0x1082;
	[sflag:s4] =	ssyncset.s32 $0xFFFFF086  }
0x25: {  	[simem:s6], [sflag:s4] =	dma.local [hbm:s3], $0xF7A  }
0x26: {  	[smem:$0x3F9F] =	sst s1;
	(tag) =	ssettag s2;
	_ =	strace s9  }
0x27: {  	s1 =	sld [smem:$0x3FAF]  }
0x28: {  	s2 =	sld [smem:$0x3FB0]  }
0x29: {  	s4 =	sld [smem:$0x3FB2]  }
0x2a: {  	p0 =	seq.s32 s5, $0x0;
	s5 =	sld [smem:$0x3FB3]  }
0x2b: {  	s6 =	sld [smem:$0x3FB4]  }
0x2c: {  	s7 =	sld [smem:$0x3FB5]  }
0x2d: {  	s3 =	simm.s32 $0x108;
	s8 =	sld [smem:$0x3FB6]  }
0x2e: {  	s3 =	simm.s32 @!p0 $0x1082;
	s9 =	sld [smem:$0x3FB7]  }
0x2f: {  	lr =	sadd.s32 s0, s3;
	s0 =	sld [smem:$0x3FAE]  }
0x30: {  	s3 =	sld [smem:$0x3FB1]  }
0x31: {  	[smem:$0x3FBA] =	sst s10  }
0x32: {  	s10 =	sld [smem:$0x3FB8];
	_ =	sdelay $0x3  }
0x33: {  	p0 =	seq.s32 s10, $0x1;
	s10 =	sld [smem:$0x3FBA];
	_ =	sdelay $0x3  }
0x34: {  	[smem:$0x3FBA] =	sst s10  }
0x35: {  	s10 =	sld [smem:$0x3FB9];
	_ =	sdelay $0x3  }
0x36: {  	p1 =	seq.s32 s10, $0x1;
	s10 =	sld [smem:$0x3FBA];
	_ =	sdelay $0x3  }
0x37: {  	[smem:$0x3FBA] =	sst s10  }
0x38: {  	s10 =	sld [smem:$0x3FBB]  }
0x39: {  	_ = 	snop;
	(pc) =	sbr.ind lr, $3  }
0x3a: {  	_ = 	snop  }
0x3b: {  	_ = 	snop  }
0x3c: {  	p2 =	seq.s32 s10, $0x1;
	s10 =	sld [smem:$0x3FBA]  }
0x3d: {  	_ =	shalt  }
0x3e: {  	_ =	shalt  }
0x3f: {  	_ =	shalt  }
0x40: {  	_ =	shalt  }
0x41: {  	_ =	shalt  }
0x42: {  	_ =	shalt  }
0x43: {  	_ =	shalt  }
0x44: {  	_ =	shalt  }
0x45: {  	_ =	shalt  }
0x46: {  	_ =	shalt  }
0x47: {  	_ =	shalt  }
0x48: {  	_ =	shalt  }
0x49: {  	_ =	shalt  }
0x4a: {  	_ =	shalt  }
0x4b: {  	_ =	shalt  }
0x4c: {  	_ =	shalt  }
0x4d: {  	_ =	shalt  }
0x4e: {  	_ =	shalt  }
0x4f: {  	_ =	shalt  }
0x50: {  	_ =	shalt  }
0x51: {  	_ =	shalt  }
0x52: {  	_ =	shalt  }
0x53: {  	_ =	shalt  }
0x54: {  	_ =	shalt  }
0x55: {  	_ =	shalt  }
0x56: {  	_ =	shalt  }
0x57: {  	_ =	shalt  }
0x58: {  	_ =	shalt  }
0x59: {  	_ =	shalt  }
0x5a: {  	_ =	shalt  }
0x5b: {  	_ =	shalt  }
0x5c: {  	_ =	shalt  }
0x5d: {  	_ =	shalt  }
0x5e: {  	_ =	shalt  }
0x5f: {  	_ =	shalt  }
0x60: {  	_ =	shalt  }
0x61: {  	_ =	shalt  }
0x62: {  	_ =	shalt  }
0x63: {  	_ =	shalt  }
0x64: {  	_ =	shalt  }
0x65: {  	_ =	shalt  }
0x66: {  	_ =	shalt  }
0x67: {  	_ =	shalt  }
0x68: {  	_ =	shalt  }
0x69: {  	_ =	shalt  }
0x6a: {  	_ =	shalt  }
0x6b: {  	_ =	shalt  }
0x6c: {  	_ =	shalt  }
0x6d: {  	_ =	shalt  }
0x6e: {  	_ =	shalt  }
0x6f: {  	_ =	shalt  }
0x70: {  	_ =	shalt  }
0x71: {  	_ =	shalt  }
0x72: {  	_ =	shalt  }
0x73: {  	_ =	shalt  }
0x74: {  	_ =	shalt  }
0x75: {  	_ =	shalt  }
0x76: {  	_ =	shalt  }
0x77: {  	_ =	shalt  }
0x78: {  	_ =	shalt  }
0x79: {  	_ =	shalt  }
0x7a: {  	_ =	shalt  }
0x7b: {  	_ =	shalt  }
0x7c: {  	_ =	shalt  }
0x7d: {  	_ =	shalt  }
0x7e: {  	_ =	shalt  }
0x7f: {  	_ =	shalt  }
0x80: {  	_ =	shalt  }
0x81: {  	_ =	shalt  }
0x82: {  	_ =	shalt  }
0x83: {  	_ =	shalt  }
0x84: {  	_ =	shalt  }
0x85: {  	_ =	shalt  }
0x86: {  	_ =	shalt  }
0x87: {  	_ =	shalt  }
.Lfunc_end0:
.L_simem_size_0:
called_computation_lowered:
.L_overlay_start_0:
0x88: {  	s2 =	sld [smem:$0x3FD9]  }
0x89: {  	s3 =	sld [smem:$0x3FFE];
	_ =	sdelay $0x1  }
0x8a: {  	s1 =	srdreg.scid  }
0x8b: {  	s0 =	sand.u32 $0x1, s1  }
0x8c: {  	s17 =	sshll.u32 s0, $0xA;
	s2 =	sadd.s32 s3, s2  }
0x8d: {  	s2 =	sadd.s32 s2, s17  }
0x8e: {  	[smem:$0x3FC6] =	sst s2  }
0x8f: {  	_ = 	snop  }
0x90: {  	s2 =	sld [smem:$0x3FC8];
	(tm) =	ssettm $0x1  }
0x91: {  	s18 =	sld [smem:$0x3FFB];
	_ =	sdelay $0x3  }
0x92: {  	_ =	strace s18  }
0x93: {  	s3 =	sld [smem:$0x3FFC];
	_ =	sdelay $0x3  }
0x94: {  	_ =	strace s3  }
0x95: {  	s3 =	sld [smem:$0x3FFD];
	_ =	sdelay $0x3  }
0x96: {  	_ =	strace s3  }
0x97: {  	_ =	strace $0x8FFFFFFF  }
0x98: {  	s19 =	sld [smem:$0x3FDB];
	_ =	sdelay $0x1  }
0x99: {  	s4 =	simm.s32 $_scs_section_size  }
0x9a: {  	s5 =	simm.s32 $_size__tile_overlayer_lowered;
	s6 =	simm.s32 $_tile_overlayer_lowered  }
0x9b: {  	s22 =	simm.s32 $0x1BFF;
	s21 =	sshll.u32 s6, $0x1;
	s3 =	sadd.s32 s4, s19  }
0x9c: {  	s7 =	simm.s32 $0x0;
	s20 =	sshll.u32 s5, $0x1;
	s5 =	sadd.s32 s21, s3  }
0x9d: {  	[timem:s7], [sflag:s22] =	dma.local [hbm:s5], s20  }
0x9e: {  	_ =	swait.ge [sflag:s22], s20  }
0x9f: {  	s4 =	ssub.s32 $0x0, s20;
	[sflag:s22] =	ssyncset.done $0x0  }
0xa0: {  	[sflag:s22] =	ssyncadd.s32 s4;
	_ =	sdelay $0x1  }
0xa1: {  	s23 =	simm.s32 $0x1B8B  }
0xa2: {  	_ =	swait.ge [sflag:s23], $0x1  }
0xa3: {  	[sflag:s23] =	ssyncset.done $0x0  }
0xa4: {  	s25 =	simm.s32 $0x1B8E;
	s24 =	sld [smem:$0x3FFE];
	[sflag:s23] =	ssyncadd.s32 $0xFFFFFFFF  }
0xa5: {  	s26 =	simm.s32 $execute0_lowered;
	[smem:$0x3FD2] =	sst s25  }
0xa6: {  	s5 =	sshll.u32 s26, $0x1;
	_ =	strace $0x80000046;
	[dreg:$0x1] =	wrdreg $0xFFFFFFFF  }
0xa7: {  	s28 =	simm.s32 $_size_execute0_lowered;
	s3 =	sadd.s32 s3, s5;
	[dreg:$0x0] =	wrdreg $0x0  }
0xa8: {  	s5 =	sshll.u32 s28, $0x1;
	[dreg:$0x2] =	wrdreg s3  }
0xa9: {  	[dreg:$0x3] =	wrdreg s5  }
0xaa: {  	[dreg:$0x4] =	wrdreg $0xC0  }
0xab: {  	_ =	task [dreg:s7], $0x5FFFF  }
0xac: {  	[dreg:$0x1] =	wrdreg $0xFFFFFFFF  }
0xad: {  	[dreg:$0x0] =	wrdreg $0x60  }
0xae: {  	[dreg:$0x2] =	wrdreg s24  }
0xaf: {  	[dreg:$0x3] =	wrdreg s2  }
0xb0: {  	[dreg:$0x4] =	wrdreg $0x12A100  }
0xb1: {  	[dreg:$0x5] =	wrdreg $0x14A100  }
0xb2: {  	[dreg:$0x6] =	wrdreg $0x9  }
0xb3: {  	_ =	task.clear_ibuf [dreg:s7], $0x7FFFF;
	_ =	strace $0x90000046  }
0xb4: {  	s29 =	simm.s32 $0x9;
	_ =	strace $0x80000048  }
0xb5: {  	_ =	swait.ge [sflag:s29], $0x1  }
0xb6: {  	[sflag:s29] =	ssyncadd.s32 $0xFFFFFFFF  }
0xb7: {  	_ =	strace $0x90000048  }
0xb8: {  	_ =	sfence  }
0xb9: {  	s30 =	sld [smem:$0x0];
	_ =	sdelay $0x2  }
0xba: {  	s31 =	sshll.u32 s1, $0xD;
	s1 =	sshrl.u32 s1, $0x2  }
0xbb: {  	s3 =	sand.u32 $0x4000, s31;
	s1 =	sadd.s32 s1, s30  }
0xbc: {  	s0 =	sor.u32 s3, s0;
	s1 =	sshll.u32 s1, $0x11  }
0xbd: {  	s0 =	sor.u32 s1, s0  }
0xbe: {  	s0 =	sadd.s32 $0x8F2B, s0  }
0xbf: {  	[sflag:s0] =	ssyncadd.remote.s32 $0x1  }
0xc0: {  	_ =	sfence.sel $0xFFFF  }
0xc1: {  	[dreg:$0x0] =	wrdreg $0xFFFFFFFF;
	(pc) =	sbr.abs _section_cstart, $3  }
0xc2: {  	[dreg:$0x1] =	wrdreg $0xFFFFFFFF  }
0xc3: {  	_ =	task.clear_ibuf [dreg:s7], $0x2FFFF;
	_ =	strace $0x9FFFFFFF  }
0xc4: {  	(tm) =	ssettm $0x7FFFFFFF  }
0xc5: {  	_ =	shalt  }
tec
execute0_lowered:
.L_overlay_start_1:
0x0: {  	(tag) =	ssettag $0x1  }
0x1: {  	s0 =	rddreg [dreg:$0x0]  }
0x2: {  	s9 =	rddreg [dreg:$0x1]  }
0x3: {  	s1 =	rddreg [dreg:$0x2];
	s3 =	srdreg.scid  }
0x4: {  	s2 =	rddreg [dreg:$0x3];
	s4 =	simm.s32 $0x0;
	s8 =	simm.s32 $0x1  }
0x5: {  	s16 =	simm.s32 $0x100;
	s17 =	simm.s32 $0x180;
	s18 =	simm.s32 $0x10200  }
0x6: {  	s19 =	simm.s32 $0x2;
	s20 =	simm.s32 $0x12200;
	s21 =	simm.s32 $0x200  }
0x7: {  	s22 =	simm.s32 $0x4200;
	s28 =	simm.s32 $0x0;
	s10 =	sand.u32 $0x1, s3  }
0x8: {  	s3 =	stileid.u32;
	[smem:$0x7FF] =	sst s4;
	s5 =	sshll.u32 s10, $0x4  }
0x9: {  	s6 =	sand.u32 $0x7, s3;
	_ =	strace $0x80000047;
	s11 =	sshll.u32 s3, $0xA  }
0xa: {  	s23 =	ssub.s32 $0x2, s10;
	s24 =	sshll.u32 s10, $0x8;
	s5 =	sor.u32 s3, s5  }
0xb: {  	s30 =	sshll.u32 s10, $0xE;
	p1 =	sne.s32 s6, $0x0;
	p0 =	seq.s32 s5, $0x0  }
0xc: {  	s31 =	sshll.u32 s3, $0xD;
	s11 =	sadd.s32 s11, s0;
	p0 =	por !p1, !p0  }
0xd: {  	s6 =	sshll.u32 s6, $0xB;
	s13 =	sshrl.u32 s23, $0x1;
	p0 =	por !p0, !p0  }
0xe: {  	s7 =	sshll.u32 s5, $0xC;
	s5 =	sshrl.u32 s5, $0x3;
	s8 =	simm.s32 @!p0 $0x0  }
0xf: {  	s15 =	ssub.s32 s23, s13;
	s23 =	simm.s32 $0x8200;
	s5 =	ssub.s32 s5, s8  }
0x10: {  	s12 =	sadd.s32 s7, s0;
	s0 =	sadd.s32 s24, s0;
	s5 =	sshll.u32 s5, $0x7  }
0x11: {  	s24 =	simm.s32 $0xC200;
	s10 =	sadd.s32 $0xE00, s12;
	s14 =	sadd.s32 s6, s5  }
0x12: {  	p0 =	sne.s32 s3, $0x0;
	s5 =	simm.s32 $0x1;
	s6 =	sshrl.u32 s14, $0x3  }
0x13: {  	s25 =	sadd.s32 $0x200, s14;
	s26 =	sadd.s32 $0x400, s14;
	s29 =	sadd.s32 $0x600, s14  }
0x14: {  	s14 =	smax.u32 s15, $0x1;
	s15 =	simm.s32 $0x80;
	s6 =	sadd.s32 s9, s6  }
0x15: {  	s7 =	sshrl.u32 s25, $0x3;
	s8 =	sshrl.u32 s26, $0x3;
	s13 =	sshrl.u32 s29, $0x3  }
0x16: {  	s25 =	simm.s32 $0x10;
	s26 =	simm.s32 $0x12A00;
	s7 =	sadd.s32 s9, s7  }
0x17: {  	s8 =	sadd.s32 s9, s8;
	s9 =	sadd.s32 s9, s13;
	s13 =	sadd.s32 s30, s11  }
0x18: {  	v0 =	vlaneseq.u32;
	v1 =	vimm.f32 $0.0e+00;
	v2 =	vimm.f32 $1.000000000e+00;
	s11 =	sadd.s32 s31, s1;
	s12 =	sadd.s32 $0x20E00, s13;
	s13 =	sadd.s32 $0x28E00, s0  }
.LBB2_1:
0x19: {  	[tilespmem:s4], [sflag:$0x2] =	stream.linear.gather [hbm4b:s6+s4], $0x80, $0x38;
	[tilespmem:$0x14A90] =	vst v63  }
0x1a: {  	_ = 	snop  }
0x1b: {  	[tilespmem:s15], [sflag:$0x2] =	stream.linear.gather [hbm4b:s7+s4], $0x80, $0x38;
	[tilespmem:$0x14A90] =	vst v63  }
0x1c: {  	s29 =	simm.s32 $0x8  }
0x1d: {  	[tilespmem:s16], [sflag:$0x2] =	stream.linear.gather [hbm4b:s8+s4], $0x80, $0x38;
	[tilespmem:$0x14A90] =	vst v63  }
0x1e: {  	s0 =	sadd.s32 $0x0, s10;
	s30 =	simm.s32 $0x280;
	s31 =	simm.s32 $0x200  }
0x1f: {  	[tilespmem:s17], [sflag:$0x2] =	stream.linear.gather [hbm4b:s9+s4], $0x80, $0x38;
	[tilespmem:$0x14A90] =	vst v63  }
.LBB2_2:
0x20: {  	[tilespmem:s31], [sflag:$0x1] =	stream.linear.gather [hbm4b:s0+s4], $0x40, $0x38;
	[tilespmem:$0x14A90] =	vst v63  }
0x21: {  	s0 =	smov.u32 s29;
	s31 =	smov.u32 s30;
	p1 =	sne.s32 s29, $0xFF8  }
.Ltmp0:
0x22: {  	s29 =	sadd.s32 $0x8, s29;
	(pc) =	sbr.rel @p1 .LBB2_2-.Ltmp0, $2  }
0x23: {  	_ =	sdelay $0x2  }
0x24: {  	s30 =	sadd.s32 $0x80, s30;
	s0 =	sadd.s32 s0, s10  }
0x25: {  	[tilespmem:s31], [sflag:$0x1] =	stream.linear.gather [hbm4b:s0+s4], $0x40, $0x38;
	[tilespmem:$0x14A90] =	vst v63  }
0x26: {  	s29 =	simm.s32 $0x0;
	s30 =	simm.s32 $0x200;
	[tilespmem:$0x12A00] =	vst v0  }
.LBB2_4:
0x27: {  	p1 =	sne.s32 s30, $0x7E00;
	[tilespmem:s29+$0x10270] =	vst v1  }
0x28: {  	[tilespmem:s29+$0x10200] =	vst v1  }
0x29: {  	[tilespmem:s29+$0x10210] =	vst v1  }
.Ltmp1:
0x2a: {  	[tilespmem:s29+$0x10220] =	vst v1;
	(pc) =	sbr.rel @p1 .LBB2_4-.Ltmp1, $4  }
0x2b: {  	[tilespmem:s29+$0x10230] =	vst v1  }
0x2c: {  	[tilespmem:s29+$0x10240] =	vst v1  }
0x2d: {  	[tilespmem:s29+$0x10250] =	vst v1  }
0x2e: {  	[tilespmem:s29+$0x10260] =	vst v1;
	s29 =	sshra.s32 s30, $0x2;
	s30 =	sadd.s32 $0x200, s30  }
0x2f: {  	[tilespmem:s29+$0x10270] =	vst v1  }
0x30: {  	[tilespmem:s29+$0x10200] =	vst v1  }
0x31: {  	[tilespmem:s29+$0x10210] =	vst v1  }
0x32: {  	[tilespmem:s29+$0x10220] =	vst v1  }
0x33: {  	[tilespmem:s29+$0x10230] =	vst v1  }
0x34: {  	[tilespmem:s29+$0x10240] =	vst v1  }
0x35: {  	[tilespmem:s29+$0x10250] =	vst v1  }
0x36: {  	[tilespmem:s29+$0x10260] =	vst v1;
	s29 =	simm.s32 $0x0;
	s30 =	simm.s32 $0x200  }
.LBB2_6:
0x37: {  	p1 =	sne.s32 s30, $0x1E00;
	[tilespmem:s29+$0x12270] =	vst v1  }
0x38: {  	[tilespmem:s29+$0x12200] =	vst v1  }
0x39: {  	[tilespmem:s29+$0x12210] =	vst v1  }
.Ltmp2:
0x3a: {  	[tilespmem:s29+$0x12220] =	vst v1;
	(pc) =	sbr.rel @p1 .LBB2_6-.Ltmp2, $4  }
0x3b: {  	[tilespmem:s29+$0x12230] =	vst v1  }
0x3c: {  	[tilespmem:s29+$0x12240] =	vst v1  }
0x3d: {  	[tilespmem:s29+$0x12250] =	vst v1  }
0x3e: {  	[tilespmem:s29+$0x12260] =	vst v1;
	s29 =	sshra.s32 s30, $0x2;
	s30 =	sadd.s32 $0x200, s30  }
0x3f: {  	[tilespmem:s29+$0x12270] =	vst v1  }
0x40: {  	[tilespmem:s29+$0x12200] =	vst v1  }
0x41: {  	[tilespmem:s29+$0x12210] =	vst v1  }
0x42: {  	[tilespmem:s29+$0x12220] =	vst v1  }
0x43: {  	[tilespmem:s29+$0x12230] =	vst v1  }
0x44: {  	[tilespmem:s29+$0x12240] =	vst v1  }
0x45: {  	[tilespmem:s29+$0x12250] =	vst v1  }
0x46: {  	[tilespmem:s29+$0x12260] =	vst v1  }
0x47: {  	[spmem:s11] =	stream.linear.scatter [tilespmem:s18], [sflag:$0x2], $0x2000, $0x38;
	[tilespmem:$0x14A90] =	vst v63  }
0x48: {  	s0 =	simm.s32 @!p0 $0x10200  }
0x49: {  	[spmem:s2] =	stream.linear.scatter @!p0 [tilespmem:s0], [sflag:$0x2], $0x800, $0x38;
	[tilespmem:$0x14A90] =	vst v63  }
0x4a: {  	s0 =	simm.s32 @!p0 $0x2  }
0x4b: {  	_ =	swait.ge @!p0 [sflag:s0], $0x800  }
0x4c: {  	[sflag:s0] =	ssyncset.done @!p0 $0x0  }
0x4d: {  	[sflag:s0] =	ssyncadd.s32 @!p0 $0xFFFFF800  }
0x4e: {  	_ =	swait.ge [sflag:s19], $0x80  }
0x4f: {  	[sflag:s19] =	ssyncset.done $0x0  }
0x50: {  	[sflag:s19] =	ssyncadd.s32 $0xFFFFFF80  }
0x51: {  	_ =	swait.ge [sflag:s19], $0x80  }
0x52: {  	[sflag:s19] =	ssyncset.done $0x0  }
0x53: {  	[sflag:s19] =	ssyncadd.s32 $0xFFFFFF80  }
0x54: {  	_ =	swait.ge [sflag:s19], $0x80  }
0x55: {  	[sflag:s19] =	ssyncset.done $0x0  }
0x56: {  	[sflag:s19] =	ssyncadd.s32 $0xFFFFFF80  }
0x57: {  	_ =	swait.ge [sflag:s19], $0x80  }
0x58: {  	[sflag:s19] =	ssyncset.done $0x0  }
0x59: {  	[sflag:s19] =	ssyncadd.s32 $0xFFFFFF80  }
0x5a: {  	_ =	swait.ge [sflag:s19], $0x2000  }
0x5b: {  	[sflag:s19] =	ssyncset.done $0x0  }
0x5c: {  	[sflag:s19] =	ssyncadd.s32 $0xFFFFE000  }
0x5d: {  	v3 =	vld [tilespmem:$0x0];
	_ =	sdelay $0x7  }
0x5e: {  	[tilespmem:v3+s20+$0x0] =	vst.idx.add.f32.msk $0xffff, v2  }
0x5f: {  	v3 =	vld [tilespmem:$0x10];
	_ =	sdelay $0x7  }
0x60: {  	[tilespmem:v3+s20+$0x0] =	vst.idx.add.f32.msk $0xffff, v2  }
0x61: {  	v3 =	vld [tilespmem:$0x20];
	_ =	sdelay $0x7  }
0x62: {  	[tilespmem:v3+s20+$0x0] =	vst.idx.add.f32.msk $0xffff, v2  }
0x63: {  	v3 =	vld [tilespmem:$0x30];
	_ =	sdelay $0x7  }
0x64: {  	[tilespmem:v3+s20+$0x0] =	vst.idx.add.f32.msk $0xffff, v2  }
0x65: {  	v3 =	vld [tilespmem:$0x40];
	_ =	sdelay $0x7  }
0x66: {  	[tilespmem:v3+s20+$0x0] =	vst.idx.add.f32.msk $0xffff, v2  }
0x67: {  	v3 =	vld [tilespmem:$0x50];
	_ =	sdelay $0x7  }
0x68: {  	[tilespmem:v3+s20+$0x0] =	vst.idx.add.f32.msk $0xffff, v2  }
0x69: {  	v3 =	vld [tilespmem:$0x60];
	_ =	sdelay $0x7  }
0x6a: {  	[tilespmem:v3+s20+$0x0] =	vst.idx.add.f32.msk $0xffff, v2  }
0x6b: {  	v3 =	vld [tilespmem:$0x70];
	_ =	sdelay $0x7  }
0x6c: {  	[tilespmem:v3+s20+$0x0] =	vst.idx.add.f32.msk $0xffff, v2  }
0x6d: {  	v3 =	vld [tilespmem:$0x80];
	_ =	sdelay $0x7  }
0x6e: {  	[tilespmem:v3+s20+$0x0] =	vst.idx.add.f32.msk $0xffff, v2  }
0x6f: {  	v3 =	vld [tilespmem:$0x90];
	_ =	sdelay $0x7  }
0x70: {  	[tilespmem:v3+s20+$0x0] =	vst.idx.add.f32.msk $0xffff, v2  }
0x71: {  	v3 =	vld [tilespmem:$0xA0];
	_ =	sdelay $0x7  }
0x72: {  	[tilespmem:v3+s20+$0x0] =	vst.idx.add.f32.msk $0xffff, v2  }
0x73: {  	v3 =	vld [tilespmem:$0xB0];
	_ =	sdelay $0x7  }
0x74: {  	[tilespmem:v3+s20+$0x0] =	vst.idx.add.f32.msk $0xffff, v2  }
0x75: {  	v3 =	vld [tilespmem:$0xC0];
	_ =	sdelay $0x7  }
0x76: {  	[tilespmem:v3+s20+$0x0] =	vst.idx.add.f32.msk $0xffff, v2  }
0x77: {  	v3 =	vld [tilespmem:$0xD0];
	_ =	sdelay $0x7  }
0x78: {  	[tilespmem:v3+s20+$0x0] =	vst.idx.add.f32.msk $0xffff, v2  }
0x79: {  	v3 =	vld [tilespmem:$0xE0];
	_ =	sdelay $0x7  }
0x7a: {  	[tilespmem:v3+s20+$0x0] =	vst.idx.add.f32.msk $0xffff, v2  }
0x7b: {  	v3 =	vld [tilespmem:$0xF0];
	_ =	sdelay $0x7  }
0x7c: {  	[tilespmem:v3+s20+$0x0] =	vst.idx.add.f32.msk $0xffff, v2  }
0x7d: {  	v3 =	vld [tilespmem:$0x100];
	_ =	sdelay $0x7  }
0x7e: {  	[tilespmem:v3+s20+$0x0] =	vst.idx.add.f32.msk $0xffff, v2  }
0x7f: {  	v3 =	vld [tilespmem:$0x110];
	_ =	sdelay $0x7  }
0x80: {  	[tilespmem:v3+s20+$0x0] =	vst.idx.add.f32.msk $0xffff, v2  }
0x81: {  	v3 =	vld [tilespmem:$0x120];
	_ =	sdelay $0x7  }
0x82: {  	[tilespmem:v3+s20+$0x0] =	vst.idx.add.f32.msk $0xffff, v2  }
0x83: {  	v3 =	vld [tilespmem:$0x130];
	_ =	sdelay $0x7  }
0x84: {  	[tilespmem:v3+s20+$0x0] =	vst.idx.add.f32.msk $0xffff, v2  }
0x85: {  	v3 =	vld [tilespmem:$0x140];
	_ =	sdelay $0x7  }
0x86: {  	[tilespmem:v3+s20+$0x0] =	vst.idx.add.f32.msk $0xffff, v2  }
0x87: {  	v3 =	vld [tilespmem:$0x150];
	_ =	sdelay $0x7  }
0x88: {  	[tilespmem:v3+s20+$0x0] =	vst.idx.add.f32.msk $0xffff, v2  }
0x89: {  	v3 =	vld [tilespmem:$0x160];
	_ =	sdelay $0x7  }
0x8a: {  	[tilespmem:v3+s20+$0x0] =	vst.idx.add.f32.msk $0xffff, v2  }
0x8b: {  	v3 =	vld [tilespmem:$0x170];
	_ =	sdelay $0x7  }
0x8c: {  	[tilespmem:v3+s20+$0x0] =	vst.idx.add.f32.msk $0xffff, v2  }
0x8d: {  	v3 =	vld [tilespmem:$0x180];
	_ =	sdelay $0x7  }
0x8e: {  	[tilespmem:v3+s20+$0x0] =	vst.idx.add.f32.msk $0xffff, v2  }
0x8f: {  	v3 =	vld [tilespmem:$0x190];
	_ =	sdelay $0x7  }
0x90: {  	[tilespmem:v3+s20+$0x0] =	vst.idx.add.f32.msk $0xffff, v2  }
0x91: {  	v3 =	vld [tilespmem:$0x1A0];
	_ =	sdelay $0x7  }
0x92: {  	[tilespmem:v3+s20+$0x0] =	vst.idx.add.f32.msk $0xffff, v2  }
0x93: {  	v3 =	vld [tilespmem:$0x1B0];
	_ =	sdelay $0x7  }
0x94: {  	[tilespmem:v3+s20+$0x0] =	vst.idx.add.f32.msk $0xffff, v2  }
0x95: {  	v3 =	vld [tilespmem:$0x1C0];
	_ =	sdelay $0x7  }
0x96: {  	[tilespmem:v3+s20+$0x0] =	vst.idx.add.f32.msk $0xffff, v2  }
0x97: {  	v3 =	vld [tilespmem:$0x1D0];
	_ =	sdelay $0x7  }
0x98: {  	[tilespmem:v3+s20+$0x0] =	vst.idx.add.f32.msk $0xffff, v2  }
0x99: {  	v3 =	vld [tilespmem:$0x1E0];
	_ =	sdelay $0x7  }
0x9a: {  	[tilespmem:v3+s20+$0x0] =	vst.idx.add.f32.msk $0xffff, v2  }
0x9b: {  	v3 =	vld [tilespmem:$0x1F0];
	_ =	sdelay $0x7  }
0x9c: {  	[tilespmem:v3+s20+$0x0] =	vst.idx.add.f32.msk $0xffff, v2  }
0x9d: {  	_ =	swait.ge [sflag:s5], $0x8000  }
0x9e: {  	[sflag:s5] =	ssyncset.done $0x0  }
0x9f: {  	s29 =	simm.s32 $0x0;
	[sflag:s5] =	ssyncadd.s32 $0xFFFF8000  }
0xa0: {  	v4 =	vld [tilespmem:s29+$0x230]  }
0xa1: {  	v5 =	vld [tilespmem:s29+$0x200]  }
0xa2: {  	v6 =	vld [tilespmem:s29+$0x210]  }
0xa3: {  	v3 =	vld [tilespmem:s29+$0x220]  }
0xa4: {  	s30 =	simm.s32 $0x200  }
.LBB2_8:
0xa5: {  	s0 =	sshra.s32 s30, $0x2;
	p1 =	sne.s32 s30, $0x3FE00;
	s30 =	sadd.s32 $0x200, s30;
	v7 =	vmul.f32 v4, v4  }
.Ltmp3:
0xa6: {  	v4 =	vld [tilespmem:s0+$0x230];
	v8 =	vmul.f32 v5, v5;
	(pc) =	sbr.rel @p1 .LBB2_8-.Ltmp3, $4  }
0xa7: {  	v5 =	vld [tilespmem:s0+$0x200];
	v9 =	vmul.f32 v6, v6;
	[tilespmem:s29+$0x270] =	vst v7  }
0xa8: {  	v6 =	vld [tilespmem:s0+$0x210];
	[tilespmem:s29+$0x240] =	vst v8;
	v7 =	vmul.f32 v3, v3  }
0xa9: {  	v3 =	vld [tilespmem:s0+$0x220];
	[tilespmem:s29+$0x250] =	vst v9  }
0xaa: {  	[tilespmem:s29+$0x260] =	vst v7;
	s29 =	smov.u32 s0  }
0xab: {  	v4 =	vmul.f32 v4, v4  }
0xac: {  	v5 =	vmul.f32 v5, v5  }
0xad: {  	v6 =	vmul.f32 v6, v6;
	[tilespmem:s29+$0x270] =	vst v4  }
0xae: {  	[tilespmem:s29+$0x240] =	vst v5;
	v3 =	vmul.f32 v3, v3  }
0xaf: {  	[tilespmem:s29+$0x250] =	vst v6  }
0xb0: {  	[tilespmem:s29+$0x260] =	vst v3  }
0xb1: {  	[bflag:$0x0] =	sbarrier.arrive $0xFFFF  }
0xb2: {  	[spmem:s1] =	stream.indirect.scatter.add.f32 [tilespmem:s21], [sflag:$0x2], $0x80, s4, s15, $0xb8;
	[tilespmem:$0x14A90] =	vst v63  }
0xb3: {  	_ = 	snop  }
0xb4: {  	[spmem:s1] =	stream.indirect.scatter.add.f32 [tilespmem:s22], [sflag:$0x2], $0x80, s15, s15, $0xb8;
	[tilespmem:$0x14A90] =	vst v63  }
0xb5: {  	_ = 	snop  }
0xb6: {  	[spmem:s1] =	stream.indirect.scatter.add.f32 [tilespmem:s23], [sflag:$0x2], $0x80, s16, s15, $0xb8;
	[tilespmem:$0x14A90] =	vst v63  }
0xb7: {  	_ = 	snop  }
0xb8: {  	[spmem:s1] =	stream.indirect.scatter.add.f32 [tilespmem:s24], [sflag:$0x2], $0x80, s17, s15, $0xb8;
	[tilespmem:$0x14A90] =	vst v63  }
0xb9: {  	_ = 	snop  }
0xba: {  	[spmem:s2] =	stream.indirect.scatter.add.f32 [tilespmem:s20], [sflag:$0x2], $0x80, s26, s25, $0xb8;
	[tilespmem:$0x14A90] =	vst v63  }
0xbb: {  	_ =	swait.ge [sflag:s19], $0x4000  }
0xbc: {  	[sflag:s19] =	ssyncset.done $0x0  }
0xbd: {  	[sflag:s19] =	ssyncadd.s32 $0xFFFFC000  }
0xbe: {  	_ =	swait.ge [sflag:s19], $0x4000  }
0xbf: {  	[sflag:s19] =	ssyncset.done $0x0  }
0xc0: {  	[sflag:s19] =	ssyncadd.s32 $0xFFFFC000  }
0xc1: {  	_ =	swait.ge [sflag:s19], $0x4000  }
0xc2: {  	[sflag:s19] =	ssyncset.done $0x0  }
0xc3: {  	[sflag:s19] =	ssyncadd.s32 $0xFFFFC000  }
0xc4: {  	_ =	swait.ge [sflag:s19], $0x4000  }
0xc5: {  	[sflag:s19] =	ssyncset.done $0x0  }
0xc6: {  	[sflag:s19] =	ssyncadd.s32 $0xFFFFC000  }
0xc7: {  	_ =	swait.ge [sflag:s19], $0x800  }
0xc8: {  	[sflag:s19] =	ssyncset.done $0x0  }
0xc9: {  	s0 =	sshll.u32 s3, $0x6;
	s31 =	sshrl.u32 s11, $0x3;
	[sflag:s19] =	ssyncadd.s32 $0xFFFFF800  }
0xca: {  	s0 =	sor.u32 $0x1C02, s0;
	s29 =	sshrl.u32 @!p0 s2, $0x3;
	[bflag:$0x0] =	sbarrier.arrive $0xFFFF  }
0xcb: {  	[hbm:s12], [sflag:s0] =	dma.local [spmem:s31], $0x400  }
0xcc: {  	[hbm:s13], [sflag:s0] =	dma.local @!p0 [spmem:s29], $0x100  }
0xcd: {  	s28 =	sadd.s32 $0x1, s28;
	s0 =	simm.s32 @!p0 $0x2  }
0xce: {  	p1 =	sne.s32 s28, s14;
	_ =	swait.ge @!p0 [sflag:s0], $0x100  }
.Ltmp4:
0xcf: {  	[sflag:s0] =	ssyncset.done @!p0 $0x0;
	(pc) =	sbr.rel @p1 .LBB2_1-.Ltmp4, $4  }
0xd0: {  	[sflag:s0] =	ssyncadd.s32 @!p0 $0xFFFFFF00  }
0xd1: {  	_ =	swait.ge [sflag:s19], $0x400  }
0xd2: {  	[sflag:s19] =	ssyncset.done $0x0  }
0xd3: {  	[sflag:s19] =	ssyncadd.s32 $0xFFFFFC00  }
0xd4: {  	_ =	sfence.sel $0x180000  }
0xd5: {  	[bflag:$0x0] =	sbarrier.arrive $0xFFFF  }
0xd6: {  	_ =	strace $0x90000047  }
0xd7: {  	[bflag:$0x2] =	sbarrier.arrive $0xFFFF  }
0xd8: {  	s0 =	rddreg [dreg:$0x4]  }
0xd9: {  	s0 =	sadd.s32 @!p0 $0x100000, s0  }
0xda: {  	[sflag:s0] =	ssyncadd.tile.s32 @!p0 $0x1;
	_ =	shalt  }
.Lfunc_end2:
_tile_overlayer_lowered:
.L_overlay_start_2:
0xdb: {  	(tag) =	ssettag $0x2  }
0xdc: {  	s0 =	rddreg [dreg:$0x0];
	s2 =	stileid.u32  }
0xdd: {  	s1 =	rddreg [dreg:$0x1];
	p0 =	sne.s32 s2, $0x0  }
0xde: {  	s3 =	rddreg [dreg:$0x2];
	[bflag:$0x3] =	sbarrier.arrive $0xFFFF;
	s2 =	simm.s32 @!p0 $0x1C03  }
0xdf: {  	[timem:s3], [sflag:s2] =	dma.local @!p0 [hbm:s0], s1  }
0xe0: {  	s0 =	simm.s32 @!p0 $0x3  }
0xe1: {  	_ =	swait.ge @!p0 [sflag:s0], s1  }
0xe2: {  	s1 =	ssub.s32 @!p0 $0x0, s1;
	[sflag:s0] =	ssyncset.done @!p0 $0x0  }
0xe3: {  	[sflag:s0] =	ssyncadd.s32 @!p0 s1  }
0xe4: {  	[bflag:$0x3] =	sbarrier.arrive $0xFFFF  }
0xe5: {  	_ =	shalt  }

</sc_bundles>
